<compile_context>
chip_gen: v7x
topology: tpu7x:2x2x1
jax: 0.10.2.dev20260603
libtpu: 0.0.44.dev20260713+nightly
codegen_flags: <defaults>
</compile_context>

<pallas_src>
import functools

import jax
import jax.numpy as jnp
from jax import lax
from jax.experimental import pallas as pl
from jax.experimental.pallas import tpu as pltpu
from jax.experimental.pallas import tpu_sc as plsc

E = 8
D_IN = 1024
D_OUT = 1024
N = 4096

BT = 512
NB = (N + E * (BT - 1)) // BT
P = NB * BT

NC = 2
NS = 16
NW = NC * NS
TPW = N // NW
CH = 64
NCHUNK = TPW // CH

@functools.cache
def _sc_mesh():
    return plsc.VectorSubcoreMesh(
        core_axis_name="c", subcore_axis_name="s", num_cores=NC, num_subcores=NS
    )




_GB = 1024


def _gate_body(x_ref, w_ref, b_ref, code_ref, cnt_ref, xb_ref, crun):
    i = pl.program_id(0)

    @pl.when(i == 0)
    def _():
        crun[...] = jnp.zeros_like(crun)

    logits = lax.dot_general(
        x_ref[...], w_ref[...], (((1,), (1,)), ((), ())),
        preferred_element_type=jnp.float32,
    )
    logits = logits + b_ref[...]
    col = lax.broadcasted_iota(jnp.int32, logits.shape, 1)
    logits = jnp.where(col < E, logits, -jnp.inf)
    mx = jnp.max(logits, axis=1, keepdims=True)
    fc = jnp.min(jnp.where(logits == mx, col, 127), axis=1, keepdims=True)
    oh = (col == fc).astype(jnp.float32)

    _SB = 256
    r = lax.broadcasted_iota(jnp.int32, (_SB, _SB), 0)
    c = lax.broadcasted_iota(jnp.int32, (_SB, _SB), 1)
    tri = (c < r).astype(jnp.bfloat16)
    run = crun[...]
    parts = []
    for k in range(_GB // _SB):
        ohk = oh[k * _SB : (k + 1) * _SB]
        cumk = lax.dot_general(
            tri, ohk.astype(jnp.bfloat16), (((1,), (0,)), ((), ())),
            preferred_element_type=jnp.float32,
        )
        parts.append(cumk + run)
        run = run + jnp.sum(ohk, axis=0, keepdims=True)
    cum = jnp.concatenate(parts, axis=0)
    code = jnp.sum(oh * (cum + col.astype(jnp.float32) * 65536.0), axis=1)
    code_ref[...] = code.astype(jnp.int32)
    crun[...] = run
    cnt_ref[...] = run

    xv = x_ref[...]
    lo = lax.bitcast_convert_type(
        xv[:, : D_IN // 2].astype(jnp.bfloat16), jnp.uint16
    ).astype(jnp.uint32)
    hi = lax.bitcast_convert_type(
        xv[:, D_IN // 2 :].astype(jnp.bfloat16), jnp.uint16
    ).astype(jnp.uint32)
    xb_ref[...] = lax.bitcast_convert_type(lo | (hi << 16), jnp.int32)


def _gate(xf, gw_pad, gb_pad):
    return pl.pallas_call(
        _gate_body,
        grid=(N // _GB,),
        in_specs=[
            pl.BlockSpec((_GB, D_IN), lambda i: (i, 0)),
            pl.BlockSpec((128, D_IN), lambda i: (0, 0)),
            pl.BlockSpec((1, 128), lambda i: (0, 0)),
        ],
        out_specs=[
            pl.BlockSpec((_GB,), lambda i: (i,)),
            pl.BlockSpec((1, 128), lambda i: (0, 0)),
            pl.BlockSpec((_GB, D_IN // 2), lambda i: (i, 0)),
        ],
        out_shape=[
            jax.ShapeDtypeStruct((N,), jnp.int32),
            jax.ShapeDtypeStruct((1, 128), jnp.float32),
            jax.ShapeDtypeStruct((N, D_IN // 2), jnp.int32),
        ],
        scratch_shapes=[pltpu.VMEM((1, 128), jnp.float32)],
    )(xf, gw_pad, gb_pad)




@functools.cache
def _dispatch():
    @functools.partial(
        pl.kernel,
        out_type=jax.ShapeDtypeStruct((P, D_IN // 2), jnp.int32),
        mesh=_sc_mesh(),
        scratch_types=[
            pltpu.VMEM((CH,), jnp.int32),
            pltpu.VMEM((CH, D_IN // 2), jnp.int32),
            pltpu.SemaphoreType.DMA,
        ],
    )
    def dispatch(x_hbm, dest_hbm, xs_hbm, idx_v, rows_v, sem):
        wid = lax.axis_index("s") * NC + lax.axis_index("c")
        for c in range(NCHUNK):
            base = wid * TPW + c * CH
            pltpu.sync_copy(dest_hbm.at[pl.ds(base, CH)], idx_v)
            pltpu.sync_copy(x_hbm.at[pl.ds(base, CH)], rows_v)
            pltpu.async_copy(rows_v, xs_hbm.at[idx_v], sem).wait()

    return dispatch




def _mm_body(xi_ref, eids_ref, acts_ref, xs_ref, w_ref, b_ref, o_ref):
    i = pl.program_id(0)

    @pl.when(acts_ref[i] > 0)
    def _():
        packed = xs_ref[...]
        xlo = lax.bitcast_convert_type(
            (packed & 0xFFFF).astype(jnp.uint16), jnp.bfloat16
        )
        xhi = lax.bitcast_convert_type(
            (lax.shift_right_logical(packed, 16)).astype(jnp.uint16), jnp.bfloat16
        )
        w = w_ref[0].astype(jnp.bfloat16)
        acc = lax.dot_general(
            xlo, w[:, : D_IN // 2], (((1,), (1,)), ((), ())),
            preferred_element_type=jnp.float32,
        ) + lax.dot_general(
            xhi, w[:, D_IN // 2 :], (((1,), (1,)), ((), ())),
            preferred_element_type=jnp.float32,
        )
        o_ref[...] = acc + b_ref[0]


def _groupmm(xi, eids, acts, xs, expert_W, expert_b3):
    grid_spec = pltpu.PrefetchScalarGridSpec(
        num_scalar_prefetch=3,
        grid=(NB,),
        in_specs=[
            pl.BlockSpec((BT, D_IN // 2), lambda i, xi, eids, acts: (xi[i], 0)),
            pl.BlockSpec((1, D_OUT, D_IN), lambda i, xi, eids, acts: (eids[i], 0, 0)),
            pl.BlockSpec((1, 1, D_OUT), lambda i, xi, eids, acts: (eids[i], 0, 0)),
        ],
        out_specs=pl.BlockSpec((BT, D_OUT), lambda i, xi, eids, acts: (xi[i], 0)),
    )
    return pl.pallas_call(
        _mm_body,
        grid_spec=grid_spec,
        out_shape=jax.ShapeDtypeStruct((P, D_OUT), jnp.float32),
    )(xi, eids, acts, xs, expert_W, expert_b3)




@functools.cache
def _combine():
    @functools.partial(
        pl.kernel,
        out_type=jax.ShapeDtypeStruct((N, D_OUT), jnp.float32),
        mesh=_sc_mesh(),
        scratch_types=[
            pltpu.VMEM((CH,), jnp.int32),
            pltpu.VMEM((CH, D_OUT), jnp.float32),
            pltpu.SemaphoreType.DMA,
        ],
    )
    def combine(ys_hbm, dest_hbm, out_hbm, idx_v, rows_v, sem):
        wid = lax.axis_index("s") * NC + lax.axis_index("c")
        for c in range(NCHUNK):
            base = wid * TPW + c * CH
            pltpu.sync_copy(dest_hbm.at[pl.ds(base, CH)], idx_v)
            pltpu.async_copy(ys_hbm.at[idx_v], rows_v, sem).wait()
            pltpu.sync_copy(rows_v, out_hbm.at[pl.ds(base, CH)])

    return combine




def kernel(x, gate_W, gate_b, expert_W, expert_b):
    orig_shape = x.shape
    xf = x.reshape(-1, D_IN)

    gw_pad = jnp.zeros((128, D_IN), jnp.float32).at[:E].set(gate_W)
    gb_pad = jnp.zeros((1, 128), jnp.float32).at[0, :E].set(gate_b)
    code, cnt, xb = _gate(xf, gw_pad, gb_pad)

    sel = lax.shift_right_logical(code, 16)
    rank = code & 0xFFFF
    counts = cnt[0, :E].astype(jnp.int32)
    padded = ((counts + BT - 1) // BT) * BT
    starts = jnp.concatenate(
        [jnp.zeros((1,), jnp.int32), jnp.cumsum(padded)[:-1].astype(jnp.int32)]
    )
    dest = starts[sel] + rank

    cumb = jnp.cumsum(padded // BT)
    nact = cumb[-1]
    bidx = jnp.arange(NB, dtype=jnp.int32)
    eids = jnp.minimum(
        jnp.sum((bidx[:, None] >= cumb[None, :]).astype(jnp.int32), axis=1), E - 1
    ).astype(jnp.int32)
    acts = (bidx < nact).astype(jnp.int32)
    last = nact - 1
    xi = jnp.where(acts == 1, bidx, last)
    eids = jnp.where(acts == 1, eids, eids[last])

    xs = _dispatch()(xb, dest)
    ys = _groupmm(xi, eids, acts, xs, expert_W, expert_b.reshape(E, 1, D_OUT))
    out = _combine()(ys, dest)

    return out.reshape(orig_shape[:-1] + (D_OUT,))

# --- scband reference (transcript-rebuilt; emitter-appended) ---
"""Pipeline reference for scband-pipelined-mo-elayer-28518582845652 (READ-ONLY COPY).

The authoritative reference and input builder live on the scoring server;
editing this copy changes nothing except your own understanding.
"""

import jax, jax.numpy as jnp
import numpy as np

E = 8
D_IN = 1024
D_OUT = 1024
BATCH, SEQ = 2, 2048

def setup_inputs(seed: int = 0) -> dict:
    key = jax.random.key(seed)
    ks = jax.random.split(key, 5)
    x = jax.random.normal(ks[0], (BATCH, SEQ, D_IN), dtype=jnp.float32)
    gate_W = jax.random.normal(ks[1], (E, D_IN), dtype=jnp.float32) * 0.02
    gate_b = jnp.zeros((E,), dtype=jnp.float32)
    expert_W = jax.random.normal(ks[2], (E, D_OUT, D_IN), dtype=jnp.float32) * 0.02
    expert_b = jnp.zeros((E, D_OUT), dtype=jnp.float32)
    return {"x": x, "gate_W": gate_W, "gate_b": gate_b, "expert_W": expert_W, "expert_b": expert_b}

def reference(x, gate_W, gate_b, expert_W, expert_b):
    # Simulates PipelinedMoELayer with world_size=1, rank=0 (all_to_all = identity).
    orig_shape = x.shape
    xf = x.reshape(-1, D_IN)
    # gate (autocast region in torch; math identical in fp32)
    gate_logits = xf @ gate_W.T + gate_b
    gates = jax.nn.softmax(gate_logits, axis=-1)
    selected_experts = jnp.argmax(gates, axis=-1)
    # expert_counts / cumsum bookkeeping (structural, world_size=1)
    expert_counts = jnp.bincount(selected_experts, length=E)
    expert_cumsum = jnp.cumsum(expert_counts)
    # route tokens to their selected expert, apply that expert's Linear,
    # and scatter results back to original token order. Equivalent to the
    # sort-by-expert / per-expert-Linear / unsort pipeline in the torch code.
    onehot = jax.nn.one_hot(selected_experts, E, dtype=xf.dtype)  # [N, E]
    all_expert_out = jnp.einsum('nd,eod->neo', xf, expert_W) + expert_b[None, :, :]  # [N, E, O]
    combined = jnp.einsum('neo,ne->no', all_expert_out, onehot)  # [N, O]
    return combined.reshape(orig_shape[:-1] + (D_OUT,))

if __name__ == "__main__":
    import jax
    _d = setup_inputs()
    print(jax.jit(kernel)(*tuple(_d.values())))

</pallas_src>

<mosaic_0001>
#map = affine_map<(d0, d1) -> (0, 0)>
#map1 = affine_map<(d0, d1) -> (0)>
module attributes {stable_mosaic.version = 14 : i64} {
  func.func @combine(%arg0: i32, %arg1: i32, %arg2: memref<7680x1024xf32, #tpu.memory_space<hbm>>, %arg3: memref<4096xi32, #tpu.memory_space<hbm>>, %arg4: memref<4096x1024xf32, #tpu.memory_space<hbm>>, %arg5: memref<64xi32, #tpu.memory_space<vmem>>, %arg6: memref<64x1024xf32, #tpu.memory_space<vmem>>, %arg7: memref<!tpu.dma_semaphore, #tpu.memory_space<semaphore_mem>>) attributes {dimension_semantics = [#tpu.dimension_semantics<core_parallel>, #tpu.dimension_semantics<subcore_parallel>], iteration_bounds = array<i64: 2, 16>, scalar_prefetch = 0 : i64, scratch_operands = 3 : i64, tpu.core_type = #tpu.core_type<sc_vector_subcore>, window_params = [{transform_indices = #map}, {transform_indices = #map1}, {transform_indices = #map}]} {
    %mul3A = arith.constant 2 : i32
    %mul3A_0 = arith.muli %arg1, %mul3A : i32
    %add3A = arith.addi %mul3A_0, %arg0 : i32
    %mul3A_1 = arith.constant 128 : i32
    %mul3A_2 = arith.muli %add3A, %mul3A_1 : i32
    %add3A_3 = arith.constant 0 : i32
    %add3A_4 = arith.addi %mul3A_2, %add3A_3 : i32
    "tpu.region"() ({
      %run_scoped3A = tpu.sem_alloc : memref<!tpu.dma_semaphore, #tpu.memory_space<semaphore_mem>>
      %dma_start3A_19 = tpu.memref_slice %arg3[%add3A_4] : memref<4096xi32, #tpu.memory_space<hbm>> -> memref<64xi32, #tpu.memory_space<hbm>>
      %dma_start3A_20 = tpu.memref_slice %arg3[%add3A_4] : memref<4096xi32, #tpu.memory_space<hbm>> -> memref<64xi32, #tpu.memory_space<hbm>>
      tpu.enqueue_dma source(%dma_start3A_20 : memref<64xi32, #tpu.memory_space<hbm>>) target(%arg5 : memref<64xi32, #tpu.memory_space<vmem>>) target_semaphore(%run_scoped3A : memref<!tpu.dma_semaphore, #tpu.memory_space<semaphore_mem>>)
      %dma_wait3A_21 = tpu.memref_slice %arg3[%add3A_4] : memref<4096xi32, #tpu.memory_space<hbm>> -> memref<64xi32, #tpu.memory_space<hbm>>
      %dma_wait3A_22 = tpu.memref_slice %arg3[%add3A_4] : memref<4096xi32, #tpu.memory_space<hbm>> -> memref<64xi32, #tpu.memory_space<hbm>>
      tpu.wait_dma2 semaphore(%run_scoped3A : memref<!tpu.dma_semaphore, #tpu.memory_space<semaphore_mem>>) src(%dma_wait3A_22 : memref<64xi32, #tpu.memory_space<hbm>>) dst(%arg5 : memref<64xi32, #tpu.memory_space<vmem>>)
      tpu.yield
    }) : () -> ()
    %dma_start3A = arith.constant 0 : i32
    %dma_start3A_5 = arith.constant 0 : i32
    %dma_start3A_6 = tpu.memref_slice %arg2[%dma_start3A, %dma_start3A_5] : memref<7680x1024xf32, #tpu.memory_space<hbm>> -> memref<7680x1024xf32, #tpu.memory_space<hbm>>
    tpu.enqueue_indirect_dma source(%dma_start3A_6 : memref<7680x1024xf32, #tpu.memory_space<hbm>>) target(%arg6 : memref<64x1024xf32, #tpu.memory_space<vmem>>) offsets(%arg5 : memref<64xi32, #tpu.memory_space<vmem>>) semaphore(%arg7 : memref<!tpu.dma_semaphore, #tpu.memory_space<semaphore_mem>>)
    %dma_wait3A = arith.constant 0 : i32
    %dma_wait3A_7 = arith.constant 0 : i32
    %dma_wait3A_8 = tpu.memref_slice %arg2[%dma_wait3A, %dma_wait3A_7] : memref<7680x1024xf32, #tpu.memory_space<hbm>> -> memref<7680x1024xf32, #tpu.memory_space<hbm>>
    tpu.wait_indirect_dma semaphore(%arg7 : memref<!tpu.dma_semaphore, #tpu.memory_space<semaphore_mem>>) src(%dma_wait3A_8 : memref<7680x1024xf32, #tpu.memory_space<hbm>>) dst(%arg6 : memref<64x1024xf32, #tpu.memory_space<vmem>>)
    "tpu.region"() ({
      %run_scoped3A = tpu.sem_alloc : memref<!tpu.dma_semaphore, #tpu.memory_space<semaphore_mem>>
      %dma_start3A_19 = arith.constant 0 : i32
      %dma_start3A_20 = tpu.memref_slice %arg4[%add3A_4, %dma_start3A_19] : memref<4096x1024xf32, #tpu.memory_space<hbm>> -> memref<64x1024xf32, #tpu.memory_space<hbm>>
      %dma_start3A_21 = arith.constant 0 : i32
      %dma_start3A_22 = tpu.memref_slice %arg4[%add3A_4, %dma_start3A_21] : memref<4096x1024xf32, #tpu.memory_space<hbm>> -> memref<64x1024xf32, #tpu.memory_space<hbm>>
      tpu.enqueue_dma source(%arg6 : memref<64x1024xf32, #tpu.memory_space<vmem>>) target(%dma_start3A_22 : memref<64x1024xf32, #tpu.memory_space<hbm>>) target_semaphore(%run_scoped3A : memref<!tpu.dma_semaphore, #tpu.memory_space<semaphore_mem>>)
      %dma_wait3A_23 = arith.constant 0 : i32
      %dma_wait3A_24 = tpu.memref_slice %arg4[%add3A_4, %dma_wait3A_23] : memref<4096x1024xf32, #tpu.memory_space<hbm>> -> memref<64x1024xf32, #tpu.memory_space<hbm>>
      %dma_wait3A_25 = arith.constant 0 : i32
      %dma_wait3A_26 = tpu.memref_slice %arg4[%add3A_4, %dma_wait3A_25] : memref<4096x1024xf32, #tpu.memory_space<hbm>> -> memref<64x1024xf32, #tpu.memory_space<hbm>>
      tpu.wait_dma2 semaphore(%run_scoped3A : memref<!tpu.dma_semaphore, #tpu.memory_space<semaphore_mem>>) src(%arg6 : memref<64x1024xf32, #tpu.memory_space<vmem>>) dst(%dma_wait3A_26 : memref<64x1024xf32, #tpu.memory_space<hbm>>)
      tpu.yield
    }) : () -> ()
    %mul3A_9 = arith.constant 128 : i32
    %mul3A_10 = arith.muli %add3A, %mul3A_9 : i32
    %add3A_11 = arith.constant 64 : i32
    %add3A_12 = arith.addi %mul3A_10, %add3A_11 : i32
    "tpu.region"() ({
      %run_scoped3A = tpu.sem_alloc : memref<!tpu.dma_semaphore, #tpu.memory_space<semaphore_mem>>
      %dma_start3A_19 = tpu.memref_slice %arg3[%add3A_12] : memref<4096xi32, #tpu.memory_space<hbm>> -> memref<64xi32, #tpu.memory_space<hbm>>
      %dma_start3A_20 = tpu.memref_slice %arg3[%add3A_12] : memref<4096xi32, #tpu.memory_space<hbm>> -> memref<64xi32, #tpu.memory_space<hbm>>
      tpu.enqueue_dma source(%dma_start3A_20 : memref<64xi32, #tpu.memory_space<hbm>>) target(%arg5 : memref<64xi32, #tpu.memory_space<vmem>>) target_semaphore(%run_scoped3A : memref<!tpu.dma_semaphore, #tpu.memory_space<semaphore_mem>>)
      %dma_wait3A_21 = tpu.memref_slice %arg3[%add3A_12] : memref<4096xi32, #tpu.memory_space<hbm>> -> memref<64xi32, #tpu.memory_space<hbm>>
      %dma_wait3A_22 = tpu.memref_slice %arg3[%add3A_12] : memref<4096xi32, #tpu.memory_space<hbm>> -> memref<64xi32, #tpu.memory_space<hbm>>
      tpu.wait_dma2 semaphore(%run_scoped3A : memref<!tpu.dma_semaphore, #tpu.memory_space<semaphore_mem>>) src(%dma_wait3A_22 : memref<64xi32, #tpu.memory_space<hbm>>) dst(%arg5 : memref<64xi32, #tpu.memory_space<vmem>>)
      tpu.yield
    }) : () -> ()
    %dma_start3A_13 = arith.constant 0 : i32
    %dma_start3A_14 = arith.constant 0 : i32
    %dma_start3A_15 = tpu.memref_slice %arg2[%dma_start3A_13, %dma_start3A_14] : memref<7680x1024xf32, #tpu.memory_space<hbm>> -> memref<7680x1024xf32, #tpu.memory_space<hbm>>
    tpu.enqueue_indirect_dma source(%dma_start3A_15 : memref<7680x1024xf32, #tpu.memory_space<hbm>>) target(%arg6 : memref<64x1024xf32, #tpu.memory_space<vmem>>) offsets(%arg5 : memref<64xi32, #tpu.memory_space<vmem>>) semaphore(%arg7 : memref<!tpu.dma_semaphore, #tpu.memory_space<semaphore_mem>>)
    %dma_wait3A_16 = arith.constant 0 : i32
    %dma_wait3A_17 = arith.constant 0 : i32
    %dma_wait3A_18 = tpu.memref_slice %arg2[%dma_wait3A_16, %dma_wait3A_17] : memref<7680x1024xf32, #tpu.memory_space<hbm>> -> memref<7680x1024xf32, #tpu.memory_space<hbm>>
    tpu.wait_indirect_dma semaphore(%arg7 : memref<!tpu.dma_semaphore, #tpu.memory_space<semaphore_mem>>) src(%dma_wait3A_18 : memref<7680x1024xf32, #tpu.memory_space<hbm>>) dst(%arg6 : memref<64x1024xf32, #tpu.memory_space<vmem>>)
    "tpu.region"() ({
      %run_scoped3A = tpu.sem_alloc : memref<!tpu.dma_semaphore, #tpu.memory_space<semaphore_mem>>
      %dma_start3A_19 = arith.constant 0 : i32
      %dma_start3A_20 = tpu.memref_slice %arg4[%add3A_12, %dma_start3A_19] : memref<4096x1024xf32, #tpu.memory_space<hbm>> -> memref<64x1024xf32, #tpu.memory_space<hbm>>
      %dma_start3A_21 = arith.constant 0 : i32
      %dma_start3A_22 = tpu.memref_slice %arg4[%add3A_12, %dma_start3A_21] : memref<4096x1024xf32, #tpu.memory_space<hbm>> -> memref<64x1024xf32, #tpu.memory_space<hbm>>
      tpu.enqueue_dma source(%arg6 : memref<64x1024xf32, #tpu.memory_space<vmem>>) target(%dma_start3A_22 : memref<64x1024xf32, #tpu.memory_space<hbm>>) target_semaphore(%run_scoped3A : memref<!tpu.dma_semaphore, #tpu.memory_space<semaphore_mem>>)
      %dma_wait3A_23 = arith.constant 0 : i32
      %dma_wait3A_24 = tpu.memref_slice %arg4[%add3A_12, %dma_wait3A_23] : memref<4096x1024xf32, #tpu.memory_space<hbm>> -> memref<64x1024xf32, #tpu.memory_space<hbm>>
      %dma_wait3A_25 = arith.constant 0 : i32
      %dma_wait3A_26 = tpu.memref_slice %arg4[%add3A_12, %dma_wait3A_25] : memref<4096x1024xf32, #tpu.memory_space<hbm>> -> memref<64x1024xf32, #tpu.memory_space<hbm>>
      tpu.wait_dma2 semaphore(%run_scoped3A : memref<!tpu.dma_semaphore, #tpu.memory_space<semaphore_mem>>) src(%arg6 : memref<64x1024xf32, #tpu.memory_space<vmem>>) dst(%dma_wait3A_26 : memref<64x1024xf32, #tpu.memory_space<hbm>>)
      tpu.yield
    }) : () -> ()
    return
  }
}

#map = affine_map<(d0, d1) -> (0, 0)>
#map1 = affine_map<(d0, d1) -> (0)>
module attributes {stable_mosaic.version = 14 : i64} {
  func.func @dispatch(%arg0: i32, %arg1: i32, %arg2: memref<4096x512xi32, #tpu.memory_space<hbm>>, %arg3: memref<4096xi32, #tpu.memory_space<hbm>>, %arg4: memref<7680x512xi32, #tpu.memory_space<hbm>>, %arg5: memref<64xi32, #tpu.memory_space<vmem>>, %arg6: memref<64x512xi32, #tpu.memory_space<vmem>>, %arg7: memref<!tpu.dma_semaphore, #tpu.memory_space<semaphore_mem>>) attributes {dimension_semantics = [#tpu.dimension_semantics<core_parallel>, #tpu.dimension_semantics<subcore_parallel>], iteration_bounds = array<i64: 2, 16>, scalar_prefetch = 0 : i64, scratch_operands = 3 : i64, tpu.core_type = #tpu.core_type<sc_vector_subcore>, window_params = [{transform_indices = #map}, {transform_indices = #map1}, {transform_indices = #map}]} {
    %mul3A = arith.constant 2 : i32
    %mul3A_0 = arith.muli %arg1, %mul3A : i32
    %add3A = arith.addi %mul3A_0, %arg0 : i32
    %mul3A_1 = arith.constant 128 : i32
    %mul3A_2 = arith.muli %add3A, %mul3A_1 : i32
    %add3A_3 = arith.constant 0 : i32
    %add3A_4 = arith.addi %mul3A_2, %add3A_3 : i32
    "tpu.region"() ({
      %run_scoped3A = tpu.sem_alloc : memref<!tpu.dma_semaphore, #tpu.memory_space<semaphore_mem>>
      %dma_start3A_19 = tpu.memref_slice %arg3[%add3A_4] : memref<4096xi32, #tpu.memory_space<hbm>> -> memref<64xi32, #tpu.memory_space<hbm>>
      %dma_start3A_20 = tpu.memref_slice %arg3[%add3A_4] : memref<4096xi32, #tpu.memory_space<hbm>> -> memref<64xi32, #tpu.memory_space<hbm>>
      tpu.enqueue_dma source(%dma_start3A_20 : memref<64xi32, #tpu.memory_space<hbm>>) target(%arg5 : memref<64xi32, #tpu.memory_space<vmem>>) target_semaphore(%run_scoped3A : memref<!tpu.dma_semaphore, #tpu.memory_space<semaphore_mem>>)
      %dma_wait3A_21 = tpu.memref_slice %arg3[%add3A_4] : memref<4096xi32, #tpu.memory_space<hbm>> -> memref<64xi32, #tpu.memory_space<hbm>>
      %dma_wait3A_22 = tpu.memref_slice %arg3[%add3A_4] : memref<4096xi32, #tpu.memory_space<hbm>> -> memref<64xi32, #tpu.memory_space<hbm>>
      tpu.wait_dma2 semaphore(%run_scoped3A : memref<!tpu.dma_semaphore, #tpu.memory_space<semaphore_mem>>) src(%dma_wait3A_22 : memref<64xi32, #tpu.memory_space<hbm>>) dst(%arg5 : memref<64xi32, #tpu.memory_space<vmem>>)
      tpu.yield
    }) : () -> ()
    "tpu.region"() ({
      %run_scoped3A = tpu.sem_alloc : memref<!tpu.dma_semaphore, #tpu.memory_space<semaphore_mem>>
      %dma_start3A_19 = arith.constant 0 : i32
      %dma_start3A_20 = tpu.memref_slice %arg2[%add3A_4, %dma_start3A_19] : memref<4096x512xi32, #tpu.memory_space<hbm>> -> memref<64x512xi32, #tpu.memory_space<hbm>>
      %dma_start3A_21 = arith.constant 0 : i32
      %dma_start3A_22 = tpu.memref_slice %arg2[%add3A_4, %dma_start3A_21] : memref<4096x512xi32, #tpu.memory_space<hbm>> -> memref<64x512xi32, #tpu.memory_space<hbm>>
      tpu.enqueue_dma source(%dma_start3A_22 : memref<64x512xi32, #tpu.memory_space<hbm>>) target(%arg6 : memref<64x512xi32, #tpu.memory_space<vmem>>) target_semaphore(%run_scoped3A : memref<!tpu.dma_semaphore, #tpu.memory_space<semaphore_mem>>)
      %dma_wait3A_23 = arith.constant 0 : i32
      %dma_wait3A_24 = tpu.memref_slice %arg2[%add3A_4, %dma_wait3A_23] : memref<4096x512xi32, #tpu.memory_space<hbm>> -> memref<64x512xi32, #tpu.memory_space<hbm>>
      %dma_wait3A_25 = arith.constant 0 : i32
      %dma_wait3A_26 = tpu.memref_slice %arg2[%add3A_4, %dma_wait3A_25] : memref<4096x512xi32, #tpu.memory_space<hbm>> -> memref<64x512xi32, #tpu.memory_space<hbm>>
      tpu.wait_dma2 semaphore(%run_scoped3A : memref<!tpu.dma_semaphore, #tpu.memory_space<semaphore_mem>>) src(%dma_wait3A_26 : memref<64x512xi32, #tpu.memory_space<hbm>>) dst(%arg6 : memref<64x512xi32, #tpu.memory_space<vmem>>)
      tpu.yield
    }) : () -> ()
    %dma_start3A = arith.constant 0 : i32
    %dma_start3A_5 = arith.constant 0 : i32
    %dma_start3A_6 = tpu.memref_slice %arg4[%dma_start3A, %dma_start3A_5] : memref<7680x512xi32, #tpu.memory_space<hbm>> -> memref<7680x512xi32, #tpu.memory_space<hbm>>
    tpu.enqueue_indirect_dma source(%arg6 : memref<64x512xi32, #tpu.memory_space<vmem>>) target(%dma_start3A_6 : memref<7680x512xi32, #tpu.memory_space<hbm>>) offsets(%arg5 : memref<64xi32, #tpu.memory_space<vmem>>) semaphore(%arg7 : memref<!tpu.dma_semaphore, #tpu.memory_space<semaphore_mem>>)
    %dma_wait3A = arith.constant 0 : i32
    %dma_wait3A_7 = arith.constant 0 : i32
    %dma_wait3A_8 = tpu.memref_slice %arg4[%dma_wait3A, %dma_wait3A_7] : memref<7680x512xi32, #tpu.memory_space<hbm>> -> memref<7680x512xi32, #tpu.memory_space<hbm>>
    tpu.wait_indirect_dma semaphore(%arg7 : memref<!tpu.dma_semaphore, #tpu.memory_space<semaphore_mem>>) src(%arg6 : memref<64x512xi32, #tpu.memory_space<vmem>>) dst(%dma_wait3A_8 : memref<7680x512xi32, #tpu.memory_space<hbm>>)
    %mul3A_9 = arith.constant 128 : i32
    %mul3A_10 = arith.muli %add3A, %mul3A_9 : i32
    %add3A_11 = arith.constant 64 : i32
    %add3A_12 = arith.addi %mul3A_10, %add3A_11 : i32
    "tpu.region"() ({
      %run_scoped3A = tpu.sem_alloc : memref<!tpu.dma_semaphore, #tpu.memory_space<semaphore_mem>>
      %dma_start3A_19 = tpu.memref_slice %arg3[%add3A_12] : memref<4096xi32, #tpu.memory_space<hbm>> -> memref<64xi32, #tpu.memory_space<hbm>>
      %dma_start3A_20 = tpu.memref_slice %arg3[%add3A_12] : memref<4096xi32, #tpu.memory_space<hbm>> -> memref<64xi32, #tpu.memory_space<hbm>>
      tpu.enqueue_dma source(%dma_start3A_20 : memref<64xi32, #tpu.memory_space<hbm>>) target(%arg5 : memref<64xi32, #tpu.memory_space<vmem>>) target_semaphore(%run_scoped3A : memref<!tpu.dma_semaphore, #tpu.memory_space<semaphore_mem>>)
      %dma_wait3A_21 = tpu.memref_slice %arg3[%add3A_12] : memref<4096xi32, #tpu.memory_space<hbm>> -> memref<64xi32, #tpu.memory_space<hbm>>
      %dma_wait3A_22 = tpu.memref_slice %arg3[%add3A_12] : memref<4096xi32, #tpu.memory_space<hbm>> -> memref<64xi32, #tpu.memory_space<hbm>>
      tpu.wait_dma2 semaphore(%run_scoped3A : memref<!tpu.dma_semaphore, #tpu.memory_space<semaphore_mem>>) src(%dma_wait3A_22 : memref<64xi32, #tpu.memory_space<hbm>>) dst(%arg5 : memref<64xi32, #tpu.memory_space<vmem>>)
      tpu.yield
    }) : () -> ()
    "tpu.region"() ({
      %run_scoped3A = tpu.sem_alloc : memref<!tpu.dma_semaphore, #tpu.memory_space<semaphore_mem>>
      %dma_start3A_19 = arith.constant 0 : i32
      %dma_start3A_20 = tpu.memref_slice %arg2[%add3A_12, %dma_start3A_19] : memref<4096x512xi32, #tpu.memory_space<hbm>> -> memref<64x512xi32, #tpu.memory_space<hbm>>
      %dma_start3A_21 = arith.constant 0 : i32
      %dma_start3A_22 = tpu.memref_slice %arg2[%add3A_12, %dma_start3A_21] : memref<4096x512xi32, #tpu.memory_space<hbm>> -> memref<64x512xi32, #tpu.memory_space<hbm>>
      tpu.enqueue_dma source(%dma_start3A_22 : memref<64x512xi32, #tpu.memory_space<hbm>>) target(%arg6 : memref<64x512xi32, #tpu.memory_space<vmem>>) target_semaphore(%run_scoped3A : memref<!tpu.dma_semaphore, #tpu.memory_space<semaphore_mem>>)
      %dma_wait3A_23 = arith.constant 0 : i32
      %dma_wait3A_24 = tpu.memref_slice %arg2[%add3A_12, %dma_wait3A_23] : memref<4096x512xi32, #tpu.memory_space<hbm>> -> memref<64x512xi32, #tpu.memory_space<hbm>>
      %dma_wait3A_25 = arith.constant 0 : i32
      %dma_wait3A_26 = tpu.memref_slice %arg2[%add3A_12, %dma_wait3A_25] : memref<4096x512xi32, #tpu.memory_space<hbm>> -> memref<64x512xi32, #tpu.memory_space<hbm>>
      tpu.wait_dma2 semaphore(%run_scoped3A : memref<!tpu.dma_semaphore, #tpu.memory_space<semaphore_mem>>) src(%dma_wait3A_26 : memref<64x512xi32, #tpu.memory_space<hbm>>) dst(%arg6 : memref<64x512xi32, #tpu.memory_space<vmem>>)
      tpu.yield
    }) : () -> ()
    %dma_start3A_13 = arith.constant 0 : i32
    %dma_start3A_14 = arith.constant 0 : i32
    %dma_start3A_15 = tpu.memref_slice %arg4[%dma_start3A_13, %dma_start3A_14] : memref<7680x512xi32, #tpu.memory_space<hbm>> -> memref<7680x512xi32, #tpu.memory_space<hbm>>
    tpu.enqueue_indirect_dma source(%arg6 : memref<64x512xi32, #tpu.memory_space<vmem>>) target(%dma_start3A_15 : memref<7680x512xi32, #tpu.memory_space<hbm>>) offsets(%arg5 : memref<64xi32, #tpu.memory_space<vmem>>) semaphore(%arg7 : memref<!tpu.dma_semaphore, #tpu.memory_space<semaphore_mem>>)
    %dma_wait3A_16 = arith.constant 0 : i32
    %dma_wait3A_17 = arith.constant 0 : i32
    %dma_wait3A_18 = tpu.memref_slice %arg4[%dma_wait3A_16, %dma_wait3A_17] : memref<7680x512xi32, #tpu.memory_space<hbm>> -> memref<7680x512xi32, #tpu.memory_space<hbm>>
    tpu.wait_indirect_dma semaphore(%arg7 : memref<!tpu.dma_semaphore, #tpu.memory_space<semaphore_mem>>) src(%arg6 : memref<64x512xi32, #tpu.memory_space<vmem>>) dst(%dma_wait3A_18 : memref<7680x512xi32, #tpu.memory_space<hbm>>)
    return
  }
}

module attributes {stable_mosaic.version = 14 : i64} {
  func.func @_gate_body(%arg0: i32, %arg1: memref<1024x1024xf32, #tpu.memory_space<vmem>>, %arg2: memref<128x1024xf32, #tpu.memory_space<vmem>>, %arg3: memref<1x128xf32, #tpu.memory_space<vmem>>, %arg4: memref<1024xi32, #tpu.memory_space<vmem>>, %arg5: memref<1x128xf32, #tpu.memory_space<vmem>>, %arg6: memref<1024x512xi32, #tpu.memory_space<vmem>>, %arg7: memref<1x128xf32, #tpu.memory_space<vmem>>) attributes {dimension_semantics = [#tpu.dimension_semantics<arbitrary>], iteration_bounds = array<i64: 4>, scalar_prefetch = 0 : i64, scratch_operands = 1 : i64, tpu.core_type = #tpu.core_type<tc>, window_params = [{transform_indices = @transform_0, window_bounds = array<i64: 1024, 1024>}, {pipeline_mode = #tpu.pipeline_mode<synchronous>, transform_indices = @transform_1, window_bounds = array<i64: 128, 1024>}, {pipeline_mode = #tpu.pipeline_mode<synchronous>, transform_indices = @transform_2, window_bounds = array<i64: 1, 128>}, {transform_indices = @transform_3, window_bounds = array<i64: 1024>}, {pipeline_mode = #tpu.pipeline_mode<synchronous>, transform_indices = @transform_4, window_bounds = array<i64: 1, 128>}, {transform_indices = @transform_5, window_bounds = array<i64: 1024, 512>}]} {
    %eq3A = arith.constant 0 : i32
    %eq3A_0 = arith.cmpi eq, %arg0, %eq3A : i32
    %convert_element_type3A = arith.extui %eq3A_0 : i1 to i32
    %cond3A = arith.constant 0 : i32
    %cond3A_1 = arith.cmpi ne, %convert_element_type3A, %cond3A : i32
    scf.if %cond3A_1 {
      %broadcast_in_dim3A_105 = arith.constant 0.000000e+00 : f32
      %broadcast_in_dim3A_106 = vector.broadcast %broadcast_in_dim3A_105 : f32 to vector<1x128xf32>
      %swap3A_107 = arith.constant 0 : index
      %swap3A_108 = arith.constant 0 : index
      %swap3A_109 = vector.load %arg7[%swap3A_107, %swap3A_108] : memref<1x128xf32, #tpu.memory_space<vmem>>, vector<1x128xf32>
      tpu.vector_store %arg7[%swap3A_107, %swap3A_108], %broadcast_in_dim3A_106 {strides = array<i32>} : memref<1x128xf32, #tpu.memory_space<vmem>>, vector<1x128xf32>,
    } else {
    }
    %get3A = arith.constant 0 : index
    %get3A_2 = arith.constant 0 : index
    %get3A_3 = vector.load %arg1[%get3A, %get3A_2] : memref<1024x1024xf32, #tpu.memory_space<vmem>>, vector<1024x1024xf32>
    %get3A_4 = arith.constant 0 : index
    %get3A_5 = arith.constant 0 : index
    %get3A_6 = vector.load %arg2[%get3A_4, %get3A_5] : memref<128x1024xf32, #tpu.memory_space<vmem>>, vector<128x1024xf32>
    %dot_general3A = arith.constant dense<0.000000e+00> : vector<1024x128xf32>
    %dot_general3A_7 = tpu.matmul %get3A_3, %get3A_6, %dot_general3A {dimension_numbers = #tpu.dot_dimension_numbers<[1], [1], [0], [0], [0, 0, 1, 0], [], []>, transpose_lhs_hint = false} : vector<1024x1024xf32>, vector<128x1024xf32>, vector<1024x128xf32> -> vector<1024x128xf32>
    %get3A_8 = arith.constant 0 : index
    %get3A_9 = arith.constant 0 : index
    %get3A_10 = vector.load %arg3[%get3A_8, %get3A_9] : memref<1x128xf32, #tpu.memory_space<vmem>>, vector<1x128xf32>
    %add3A = vector.broadcast %get3A_10 : vector<1x128xf32> to vector<1024x128xf32>
    %add3A_11 = arith.addf %dot_general3A_7, %add3A : vector<1024x128xf32>
    %iota3A = tpu.iota {dimensions = array<i32: 1>} : vector<1024x128xi32>
    %lt3A = arith.constant 8 : i32
    %lt3A_12 = vector.broadcast %lt3A : i32 to vector<1024x128xi32>
    %lt3A_13 = arith.cmpi slt, %iota3A, %lt3A_12 : vector<1024x128xi32>
    %jit3A = arith.constant 0xFF800000 : f32
    %broadcast_in_dim3A = vector.broadcast %jit3A : f32 to vector<1024x128xf32>
    %select_n3A = arith.select %lt3A_13, %add3A_11, %broadcast_in_dim3A : vector<1024x128xi1>, vector<1024x128xf32>
    %reduce_max3A = arith.constant dense<0xFF800000> : vector<1024xf32>
    %reduce_max3A_14 = vector.multi_reduction <maximumf>, %select_n3A, %reduce_max3A [1] : vector<1024x128xf32> to vector<1024xf32>
    %broadcast_in_dim3A_15 = vector.shape_cast %reduce_max3A_14 : vector<1024xf32> to vector<1024x1xf32>
    %eq3A_16 = vector.broadcast %broadcast_in_dim3A_15 : vector<1024x1xf32> to vector<1024x128xf32>
    %eq3A_17 = arith.cmpf oeq, %select_n3A, %eq3A_16 : vector<1024x128xf32>
    %jit3A_18 = arith.constant 127 : i32
    %broadcast_in_dim3A_19 = vector.broadcast %jit3A_18 : i32 to vector<1024x128xi32>
    %select_n3A_20 = arith.select %eq3A_17, %iota3A, %broadcast_in_dim3A_19 : vector<1024x128xi1>, vector<1024x128xi32>
    %reduce_min3A = arith.constant dense<2147483647> : vector<1024xi32>
    %reduce_min3A_21 = vector.multi_reduction <minsi>, %select_n3A_20, %reduce_min3A [1] : vector<1024x128xi32> to vector<1024xi32>
    %broadcast_in_dim3A_22 = vector.shape_cast %reduce_min3A_21 : vector<1024xi32> to vector<1024x1xi32>
    %eq3A_23 = vector.broadcast %broadcast_in_dim3A_22 : vector<1024x1xi32> to vector<1024x128xi32>
    %eq3A_24 = arith.cmpi eq, %iota3A, %eq3A_23 : vector<1024x128xi32>
    %convert_element_type3A_25 = arith.extui %eq3A_24 : vector<1024x128xi1> to vector<1024x128xi32>
    %convert_element_type3A_26 = arith.sitofp %convert_element_type3A_25 : vector<1024x128xi32> to vector<1024x128xf32>
    %iota3A_27 = tpu.iota {dimensions = array<i32: 0>} : vector<256x256xi32>
    %iota3A_28 = tpu.iota {dimensions = array<i32: 1>} : vector<256x256xi32>
    %lt3A_29 = arith.cmpi slt, %iota3A_28, %iota3A_27 : vector<256x256xi32>
    %convert_element_type3A_30 = arith.extui %lt3A_29 : vector<256x256xi1> to vector<256x256xi32>
    %convert_element_type3A_31 = arith.sitofp %convert_element_type3A_30 : vector<256x256xi32> to vector<256x256xf32>
    %convert_element_type3A_32 = arith.truncf %convert_element_type3A_31 : vector<256x256xf32> to vector<256x256xbf16>
    %get3A_33 = arith.constant 0 : index
    %get3A_34 = arith.constant 0 : index
    %get3A_35 = vector.load %arg7[%get3A_33, %get3A_34] : memref<1x128xf32, #tpu.memory_space<vmem>>, vector<1x128xf32>
    %slice3A = vector.extract_strided_slice %convert_element_type3A_26 {offsets = [0, 0], sizes = [256, 128], strides = [1, 1]} : vector<1024x128xf32> to vector<256x128xf32>
    %convert_element_type3A_36 = arith.truncf %slice3A : vector<256x128xf32> to vector<256x128xbf16>
    %dot_general3A_37 = arith.constant dense<0.000000e+00> : vector<256x128xf32>
    %dot_general3A_38 = tpu.matmul %convert_element_type3A_32, %convert_element_type3A_36, %dot_general3A_37 {dimension_numbers = #tpu.dot_dimension_numbers<[1], [0], [0], [1], [0, 0, 1, 1], [], []>, transpose_lhs_hint = false} : vector<256x256xbf16>, vector<256x128xbf16>, vector<256x128xf32> -> vector<256x128xf32>
    %add3A_39 = vector.broadcast %get3A_35 : vector<1x128xf32> to vector<256x128xf32>
    %add3A_40 = arith.addf %dot_general3A_38, %add3A_39 : vector<256x128xf32>
    %reduce_sum3A = arith.constant dense<0.000000e+00> : vector<128xf32>
    %reduce_sum3A_41 = vector.multi_reduction <add>, %slice3A, %reduce_sum3A [0] : vector<256x128xf32> to vector<128xf32>
    %broadcast_in_dim3A_42 = vector.shape_cast %reduce_sum3A_41 : vector<128xf32> to vector<1x128xf32>
    %add3A_43 = arith.addf %get3A_35, %broadcast_in_dim3A_42 : vector<1x128xf32>
    %slice3A_44 = vector.extract_strided_slice %convert_element_type3A_26 {offsets = [256, 0], sizes = [256, 128], strides = [1, 1]} : vector<1024x128xf32> to vector<256x128xf32>
    %convert_element_type3A_45 = arith.truncf %slice3A_44 : vector<256x128xf32> to vector<256x128xbf16>
    %dot_general3A_46 = arith.constant dense<0.000000e+00> : vector<256x128xf32>
    %dot_general3A_47 = tpu.matmul %convert_element_type3A_32, %convert_element_type3A_45, %dot_general3A_46 {dimension_numbers = #tpu.dot_dimension_numbers<[1], [0], [0], [1], [0, 0, 1, 1], [], []>, transpose_lhs_hint = false} : vector<256x256xbf16>, vector<256x128xbf16>, vector<256x128xf32> -> vector<256x128xf32>
    %add3A_48 = vector.broadcast %add3A_43 : vector<1x128xf32> to vector<256x128xf32>
    %add3A_49 = arith.addf %dot_general3A_47, %add3A_48 : vector<256x128xf32>
    %reduce_sum3A_50 = arith.constant dense<0.000000e+00> : vector<128xf32>
    %reduce_sum3A_51 = vector.multi_reduction <add>, %slice3A_44, %reduce_sum3A_50 [0] : vector<256x128xf32> to vector<128xf32>
    %broadcast_in_dim3A_52 = vector.shape_cast %reduce_sum3A_51 : vector<128xf32> to vector<1x128xf32>
    %add3A_53 = arith.addf %add3A_43, %broadcast_in_dim3A_52 : vector<1x128xf32>
    %slice3A_54 = vector.extract_strided_slice %convert_element_type3A_26 {offsets = [512, 0], sizes = [256, 128], strides = [1, 1]} : vector<1024x128xf32> to vector<256x128xf32>
    %convert_element_type3A_55 = arith.truncf %slice3A_54 : vector<256x128xf32> to vector<256x128xbf16>
    %dot_general3A_56 = arith.constant dense<0.000000e+00> : vector<256x128xf32>
    %dot_general3A_57 = tpu.matmul %convert_element_type3A_32, %convert_element_type3A_55, %dot_general3A_56 {dimension_numbers = #tpu.dot_dimension_numbers<[1], [0], [0], [1], [0, 0, 1, 1], [], []>, transpose_lhs_hint = false} : vector<256x256xbf16>, vector<256x128xbf16>, vector<256x128xf32> -> vector<256x128xf32>
    %add3A_58 = vector.broadcast %add3A_53 : vector<1x128xf32> to vector<256x128xf32>
    %add3A_59 = arith.addf %dot_general3A_57, %add3A_58 : vector<256x128xf32>
    %reduce_sum3A_60 = arith.constant dense<0.000000e+00> : vector<128xf32>
    %reduce_sum3A_61 = vector.multi_reduction <add>, %slice3A_54, %reduce_sum3A_60 [0] : vector<256x128xf32> to vector<128xf32>
    %broadcast_in_dim3A_62 = vector.shape_cast %reduce_sum3A_61 : vector<128xf32> to vector<1x128xf32>
    %add3A_63 = arith.addf %add3A_53, %broadcast_in_dim3A_62 : vector<1x128xf32>
    %slice3A_64 = vector.extract_strided_slice %convert_element_type3A_26 {offsets = [768, 0], sizes = [256, 128], strides = [1, 1]} : vector<1024x128xf32> to vector<256x128xf32>
    %convert_element_type3A_65 = arith.truncf %slice3A_64 : vector<256x128xf32> to vector<256x128xbf16>
    %dot_general3A_66 = arith.constant dense<0.000000e+00> : vector<256x128xf32>
    %dot_general3A_67 = tpu.matmul %convert_element_type3A_32, %convert_element_type3A_65, %dot_general3A_66 {dimension_numbers = #tpu.dot_dimension_numbers<[1], [0], [0], [1], [0, 0, 1, 1], [], []>, transpose_lhs_hint = false} : vector<256x256xbf16>, vector<256x128xbf16>, vector<256x128xf32> -> vector<256x128xf32>
    %add3A_68 = vector.broadcast %add3A_63 : vector<1x128xf32> to vector<256x128xf32>
    %add3A_69 = arith.addf %dot_general3A_67, %add3A_68 : vector<256x128xf32>
    %reduce_sum3A_70 = arith.constant dense<0.000000e+00> : vector<128xf32>
    %reduce_sum3A_71 = vector.multi_reduction <add>, %slice3A_64, %reduce_sum3A_70 [0] : vector<256x128xf32> to vector<128xf32>
    %broadcast_in_dim3A_72 = vector.shape_cast %reduce_sum3A_71 : vector<128xf32> to vector<1x128xf32>
    %add3A_73 = arith.addf %add3A_63, %broadcast_in_dim3A_72 : vector<1x128xf32>
    %concatenate3A = tpu.concatenate %add3A_40, %add3A_49, %add3A_59, %add3A_69 in 0 : vector<256x128xf32>, vector<256x128xf32>, vector<256x128xf32>, vector<256x128xf32> -> vector<1024x128xf32>
    %convert_element_type3A_74 = arith.sitofp %iota3A : vector<1024x128xi32> to vector<1024x128xf32>
    %mul3A = arith.constant 6.553600e+04 : f32
    %mul3A_75 = vector.broadcast %mul3A : f32 to vector<1024x128xf32>
    %mul3A_76 = arith.mulf %convert_element_type3A_74, %mul3A_75 : vector<1024x128xf32>
    %add3A_77 = arith.addf %concatenate3A, %mul3A_76 : vector<1024x128xf32>
    %mul3A_78 = arith.mulf %convert_element_type3A_26, %add3A_77 : vector<1024x128xf32>
    %reduce_sum3A_79 = arith.constant dense<0.000000e+00> : vector<1024xf32>
    %reduce_sum3A_80 = vector.multi_reduction <add>, %mul3A_78, %reduce_sum3A_79 [1] : vector<1024x128xf32> to vector<1024xf32>
    %convert_element_type3A_81 = arith.fptosi %reduce_sum3A_80 : vector<1024xf32> to vector<1024xi32>
    %swap3A = arith.constant 0 : index
    %swap3A_82 = vector.load %arg4[%swap3A] : memref<1024xi32, #tpu.memory_space<vmem>>, vector<1024xi32>
    tpu.vector_store %arg4[%swap3A], %convert_element_type3A_81 {strides = array<i32>} : memref<1024xi32, #tpu.memory_space<vmem>>, vector<1024xi32>,
    %swap3A_83 = arith.constant 0 : index
    %swap3A_84 = arith.constant 0 : index
    %swap3A_85 = vector.load %arg7[%swap3A_83, %swap3A_84] : memref<1x128xf32, #tpu.memory_space<vmem>>, vector<1x128xf32>
    tpu.vector_store %arg7[%swap3A_83, %swap3A_84], %add3A_73 {strides = array<i32>} : memref<1x128xf32, #tpu.memory_space<vmem>>, vector<1x128xf32>,
    %swap3A_86 = arith.constant 0 : index
    %swap3A_87 = arith.constant 0 : index
    %swap3A_88 = vector.load %arg5[%swap3A_86, %swap3A_87] : memref<1x128xf32, #tpu.memory_space<vmem>>, vector<1x128xf32>
    tpu.vector_store %arg5[%swap3A_86, %swap3A_87], %add3A_73 {strides = array<i32>} : memref<1x128xf32, #tpu.memory_space<vmem>>, vector<1x128xf32>,
    %get3A_89 = arith.constant 0 : index
    %get3A_90 = arith.constant 0 : index
    %get3A_91 = vector.load %arg1[%get3A_89, %get3A_90] : memref<1024x1024xf32, #tpu.memory_space<vmem>>, vector<1024x1024xf32>
    %slice3A_92 = vector.extract_strided_slice %get3A_91 {offsets = [0, 0], sizes = [1024, 512], strides = [1, 1]} : vector<1024x1024xf32> to vector<1024x512xf32>
    %convert_element_type3A_93 = arith.truncf %slice3A_92 : vector<1024x512xf32> to vector<1024x512xbf16>
    %bitcast_convert_type3A = tpu.bitcast %convert_element_type3A_93 : vector<1024x512xbf16> -> vector<1024x512xi16>
    %convert_element_type3A_94 = arith.extui %bitcast_convert_type3A : vector<1024x512xi16> to vector<1024x512xi32>
    %slice3A_95 = vector.extract_strided_slice %get3A_91 {offsets = [0, 512], sizes = [1024, 512], strides = [1, 1]} : vector<1024x1024xf32> to vector<1024x512xf32>
    %convert_element_type3A_96 = arith.truncf %slice3A_95 : vector<1024x512xf32> to vector<1024x512xbf16>
    %bitcast_convert_type3A_97 = tpu.bitcast %convert_element_type3A_96 : vector<1024x512xbf16> -> vector<1024x512xi16>
    %convert_element_type3A_98 = arith.extui %bitcast_convert_type3A_97 : vector<1024x512xi16> to vector<1024x512xi32>
    %shift_left3A = arith.constant 16 : i32
    %shift_left3A_99 = vector.broadcast %shift_left3A : i32 to vector<1024x512xi32>
    %shift_left3A_100 = arith.shli %convert_element_type3A_98, %shift_left3A_99 : vector<1024x512xi32>
    %or3A = arith.ori %convert_element_type3A_94, %shift_left3A_100 : vector<1024x512xi32>
    %bitcast_convert_type3A_101 = tpu.bitcast %or3A : vector<1024x512xi32> -> vector<1024x512xi32>
    %swap3A_102 = arith.constant 0 : index
    %swap3A_103 = arith.constant 0 : index
    %swap3A_104 = vector.load %arg6[%swap3A_102, %swap3A_103] : memref<1024x512xi32, #tpu.memory_space<vmem>>, vector<1024x512xi32>
    tpu.vector_store %arg6[%swap3A_102, %swap3A_103], %bitcast_convert_type3A_101 {strides = array<i32>} : memref<1024x512xi32, #tpu.memory_space<vmem>>, vector<1024x512xi32>,
    return
  }
  func.func @transform_0(%arg0: i32) -> (i32, i32) {
    %c0_i32 = arith.constant 0 : i32
    %c0_i32_0 = arith.constant 0 : i32
    return %arg0, %c0_i32 : i32, i32
  }
  func.func @transform_1(%arg0: i32) -> (i32, i32) {
    %c0_i32 = arith.constant 0 : i32
    %c0_i32_0 = arith.constant 0 : i32
    %c0_i32_1 = arith.constant 0 : i32
    return %c0_i32, %c0_i32_0 : i32, i32
  }
  func.func @transform_2(%arg0: i32) -> (i32, i32) {
    %c0_i32 = arith.constant 0 : i32
    %c0_i32_0 = arith.constant 0 : i32
    %c0_i32_1 = arith.constant 0 : i32
    return %c0_i32, %c0_i32_0 : i32, i32
  }
  func.func @transform_3(%arg0: i32) -> i32 {
    %c0_i32 = arith.constant 0 : i32
    return %arg0 : i32
  }
  func.func @transform_4(%arg0: i32) -> (i32, i32) {
    %c0_i32 = arith.constant 0 : i32
    %c0_i32_0 = arith.constant 0 : i32
    %c0_i32_1 = arith.constant 0 : i32
    return %c0_i32, %c0_i32_0 : i32, i32
  }
  func.func @transform_5(%arg0: i32) -> (i32, i32) {
    %c0_i32 = arith.constant 0 : i32
    %c0_i32_0 = arith.constant 0 : i32
    return %arg0, %c0_i32 : i32, i32
  }
}

module attributes {stable_mosaic.version = 14 : i64} {
  func.func @_mm_body(%arg0: i32, %arg1: memref<15xi32, #tpu.memory_space<smem>>, %arg2: memref<15xi32, #tpu.memory_space<smem>>, %arg3: memref<15xi32, #tpu.memory_space<smem>>, %arg4: memref<512x512xi32, #tpu.memory_space<vmem>>, %arg5: memref<1x1024x1024xf32, #tpu.memory_space<vmem>>, %arg6: memref<1x1x1024xf32, #tpu.memory_space<vmem>>, %arg7: memref<512x1024xf32, #tpu.memory_space<vmem>>) attributes {dimension_semantics = [#tpu.dimension_semantics<arbitrary>], iteration_bounds = array<i64: 15>, scalar_prefetch = 3 : i64, scratch_operands = 0 : i64, tpu.core_type = #tpu.core_type<tc>, window_params = [{transform_indices = @transform_0, window_bounds = array<i64: 512, 512>}, {transform_indices = @transform_1, window_bounds = array<i64: 1, 1024, 1024>}, {transform_indices = @transform_2, window_bounds = array<i64: 1, 1, 1024>}, {transform_indices = @transform_3, window_bounds = array<i64: 512, 1024>}]} {
    %get3A = arith.index_cast %arg0 : i32 to index
    %get3A_0 = memref.load %arg3[%get3A] : memref<15xi32, #tpu.memory_space<smem>>
    %gt3A = arith.constant 0 : i32
    %gt3A_1 = arith.cmpi sgt, %get3A_0, %gt3A : i32
    %convert_element_type3A = arith.extui %gt3A_1 : i1 to i32
    %cond3A = arith.constant 0 : i32
    %cond3A_2 = arith.cmpi ne, %convert_element_type3A, %cond3A : i32
    scf.if %cond3A_2 {
      %get3A_3 = arith.constant 0 : index
      %get3A_4 = arith.constant 0 : index
      %get3A_5 = vector.load %arg4[%get3A_3, %get3A_4] : memref<512x512xi32, #tpu.memory_space<vmem>>, vector<512x512xi32>
      %and3A = arith.constant 65535 : i32
      %and3A_6 = vector.broadcast %and3A : i32 to vector<512x512xi32>
      %and3A_7 = arith.andi %get3A_5, %and3A_6 : vector<512x512xi32>
      %convert_element_type3A_8 = arith.trunci %and3A_7 : vector<512x512xi32> to vector<512x512xi16>
      %bitcast_convert_type3A = tpu.bitcast %convert_element_type3A_8 : vector<512x512xi16> -> vector<512x512xbf16>
      %shift_right_logical3A = arith.constant 16 : i32
      %shift_right_logical3A_9 = vector.broadcast %shift_right_logical3A : i32 to vector<512x512xi32>
      %shift_right_logical3A_10 = arith.shrui %get3A_5, %shift_right_logical3A_9 : vector<512x512xi32>
      %convert_element_type3A_11 = arith.trunci %shift_right_logical3A_10 : vector<512x512xi32> to vector<512x512xi16>
      %bitcast_convert_type3A_12 = tpu.bitcast %convert_element_type3A_11 : vector<512x512xi16> -> vector<512x512xbf16>
      %get3A_13 = arith.constant 0 : index
      %get3A_14 = arith.constant 0 : index
      %get3A_15 = arith.constant 0 : index
      %get3A_16 = vector.load %arg5[%get3A_13, %get3A_14, %get3A_15] : memref<1x1024x1024xf32, #tpu.memory_space<vmem>>, vector<1x1024x1024xf32>
      %get3A_17 = vector.shape_cast %get3A_16 : vector<1x1024x1024xf32> to vector<1024x1024xf32>
      %convert_element_type3A_18 = arith.truncf %get3A_17 : vector<1024x1024xf32> to vector<1024x1024xbf16>
      %slice3A = vector.extract_strided_slice %convert_element_type3A_18 {offsets = [0, 0], sizes = [1024, 512], strides = [1, 1]} : vector<1024x1024xbf16> to vector<1024x512xbf16>
      %dot_general3A = arith.constant dense<0.000000e+00> : vector<512x1024xf32>
      %dot_general3A_19 = tpu.matmul %bitcast_convert_type3A, %slice3A, %dot_general3A {dimension_numbers = #tpu.dot_dimension_numbers<[1], [1], [0], [0], [0, 0, 1, 0], [], []>, transpose_lhs_hint = false} : vector<512x512xbf16>, vector<1024x512xbf16>, vector<512x1024xf32> -> vector<512x1024xf32>
      %slice3A_20 = vector.extract_strided_slice %convert_element_type3A_18 {offsets = [0, 512], sizes = [1024, 512], strides = [1, 1]} : vector<1024x1024xbf16> to vector<1024x512xbf16>
      %dot_general3A_21 = arith.constant dense<0.000000e+00> : vector<512x1024xf32>
      %dot_general3A_22 = tpu.matmul %bitcast_convert_type3A_12, %slice3A_20, %dot_general3A_21 {dimension_numbers = #tpu.dot_dimension_numbers<[1], [1], [0], [0], [0, 0, 1, 0], [], []>, transpose_lhs_hint = false} : vector<512x512xbf16>, vector<1024x512xbf16>, vector<512x1024xf32> -> vector<512x1024xf32>
      %add3A = arith.addf %dot_general3A_19, %dot_general3A_22 : vector<512x1024xf32>
      %get3A_23 = arith.constant 0 : index
      %get3A_24 = arith.constant 0 : index
      %get3A_25 = arith.constant 0 : index
      %get3A_26 = vector.load %arg6[%get3A_23, %get3A_24, %get3A_25] : memref<1x1x1024xf32, #tpu.memory_space<vmem>>, vector<1x1x1024xf32>
      %get3A_27 = vector.shape_cast %get3A_26 : vector<1x1x1024xf32> to vector<1x1024xf32>
      %add3A_28 = vector.broadcast %get3A_27 : vector<1x1024xf32> to vector<512x1024xf32>
      %add3A_29 = arith.addf %add3A, %add3A_28 : vector<512x1024xf32>
      %swap3A = arith.constant 0 : index
      %swap3A_30 = arith.constant 0 : index
      %swap3A_31 = vector.load %arg7[%swap3A, %swap3A_30] : memref<512x1024xf32, #tpu.memory_space<vmem>>, vector<512x1024xf32>
      tpu.vector_store %arg7[%swap3A, %swap3A_30], %add3A_29 {strides = array<i32>} : memref<512x1024xf32, #tpu.memory_space<vmem>>, vector<512x1024xf32>,
    } else {
    }
    return
  }
  func.func @transform_0(%arg0: i32, %arg1: memref<15xi32, #tpu.memory_space<smem>>, %arg2: memref<15xi32, #tpu.memory_space<smem>>, %arg3: memref<15xi32, #tpu.memory_space<smem>>) -> (i32, i32) {
    %get3A = arith.index_cast %arg0 : i32 to index
    %get3A_0 = memref.load %arg1[%get3A] : memref<15xi32, #tpu.memory_space<smem>>
    %c0_i32 = arith.constant 0 : i32
    %c0_i32_1 = arith.constant 0 : i32
    return %get3A_0, %c0_i32 : i32, i32
  }
  func.func @transform_1(%arg0: i32, %arg1: memref<15xi32, #tpu.memory_space<smem>>, %arg2: memref<15xi32, #tpu.memory_space<smem>>, %arg3: memref<15xi32, #tpu.memory_space<smem>>) -> (i32, i32, i32) {
    %get3A = arith.index_cast %arg0 : i32 to index
    %get3A_0 = memref.load %arg2[%get3A] : memref<15xi32, #tpu.memory_space<smem>>
    %c0_i32 = arith.constant 0 : i32
    %c0_i32_1 = arith.constant 0 : i32
    %c0_i32_2 = arith.constant 0 : i32
    return %get3A_0, %c0_i32, %c0_i32_1 : i32, i32, i32
  }
  func.func @transform_2(%arg0: i32, %arg1: memref<15xi32, #tpu.memory_space<smem>>, %arg2: memref<15xi32, #tpu.memory_space<smem>>, %arg3: memref<15xi32, #tpu.memory_space<smem>>) -> (i32, i32, i32) {
    %get3A = arith.index_cast %arg0 : i32 to index
    %get3A_0 = memref.load %arg2[%get3A] : memref<15xi32, #tpu.memory_space<smem>>
    %c0_i32 = arith.constant 0 : i32
    %c0_i32_1 = arith.constant 0 : i32
    %c0_i32_2 = arith.constant 0 : i32
    return %get3A_0, %c0_i32, %c0_i32_1 : i32, i32, i32
  }
  func.func @transform_3(%arg0: i32, %arg1: memref<15xi32, #tpu.memory_space<smem>>, %arg2: memref<15xi32, #tpu.memory_space<smem>>, %arg3: memref<15xi32, #tpu.memory_space<smem>>) -> (i32, i32) {
    %get3A = arith.index_cast %arg0 : i32 to index
    %get3A_0 = memref.load %arg1[%get3A] : memref<15xi32, #tpu.memory_space<smem>>
    %c0_i32 = arith.constant 0 : i32
    %c0_i32_1 = arith.constant 0 : i32
    return %get3A_0, %c0_i32 : i32, i32
  }
}

</mosaic_0001>

<sc_bundles>
// kernel: kernel.6.cloned.1.call-start
scs
__scs_entry_jumppad:
0x0: {  	(pc) =	sbr.rel $0x88, $3  }
0x1: {  	(tag) =	ssettag $0x0;
	lr =	simm.s32 $0x1  }
0x2: {  	[smem:$0x3F9C] =	sst lr;
	_ =	strace $0xD0000000  }
0x3: {  	_ = 	snop  }
0x4: {  	_ = 	snop  }
0x5: {  	_ = 	snop  }
0x6: {  	_ = 	snop  }
0x7: {  	_ = 	snop  }
__scs_overlays_trampoline_lowered:
0x8: {  	[smem:$0x3FAB] =	sst s0  }
0x9: {  	[smem:$0x3FAC] =	sst s1  }
0xa: {  	[smem:$0x3FAD] =	sst s2  }
0xb: {  	[smem:$0x3FAE] =	sst s3  }
0xc: {  	[smem:$0x3FAF] =	sst s4  }
0xd: {  	[smem:$0x3FB0] =	sst s5  }
0xe: {  	[smem:$0x3FB1] =	sst s6  }
0xf: {  	[smem:$0x3FB2] =	sst s7  }
0x10: {  	[smem:$0x3FB3] =	sst s8  }
0x11: {  	[smem:$0x3FB4] =	sst s9;
	s0 =	simm.s32 @!p0 $0x0  }
0x12: {  	s1 =	sld [smem:$0x3F9A];
	s0 =	simm.s32 @p0 $0x1  }
0x13: {  	[smem:$0x3FB5] =	sst s0;
	s0 =	simm.s32 @!p1 $0x0  }
0x14: {  	s2 =	sld [smem:$0x3F99];
	s0 =	simm.s32 @p1 $0x1  }
0x15: {  	[smem:$0x3FB6] =	sst s0;
	s0 =	simm.s32 @!p2 $0x0  }
0x16: {  	s3 =	sld [smem:$0x3FDB];
	s0 =	simm.s32 @p2 $0x1  }
0x17: {  	s4 =	simm.s32 $0x1BF5;
	[smem:$0x3FB8] =	sst s0  }
0x18: {  	s0 =	sld [smem:$0x3F9B];
	_ =	swait.ge [sflag:s4], $0x0  }
0x19: {  	s7 =	sld [smem:$0x3F9C]  }
0x1a: {  	s8 =	sadd.s32 $0xFFFFE003, lr  }
0x1b: {  	s9 =	sadd.s32 $0xFFFFFEF7, lr;
	s5 =	simm.s32 $0xFFFFFFFF;
	p2 =	slt.u32 s8, $0xFFFFF086  }
0x1c: {  	p1 =	slt.u32 s9, $0xF7A;
	s5 =	simm.s32 @!p2 $0x0  }
0x1d: {  	s5 =	simm.s32 @p1 $0x1;
	p0 =	seq.s32 s7, s2  }
0x1e: {  	s7 =	smul.u32 @!p0 $0xF7A, s2;
	p2 =	seq.s32 @!p0 s5, $0x0  }
0x1f: {  	s9 =	smul.u32 $0xF7A, s1;
	s8 =	simm.s32 @!p0 $0x1BF5;
	p2 =	por !p2, p0  }
0x20: {  	[sflag:s8] =	ssyncset.s32 @!p0 $0xFFFFF086;
	s6 =	sadd.s32 @!p0 s3, s7;
	s7 =	simm.s32 @!p0 $0x108  }
0x21: {  	s3 =	sadd.s32 s3, s9;
	s6 =	sadd.s32 @!p0 $0x88, s6;
	s7 =	simm.s32 @p2 $0x1082  }
0x22: {  	[simem:s7], [sflag:s8] =	dma.local @!p0 [hbm:s6], $0xF7A  }
0x23: {  	s9 =	sor.u32 $0xD0000000, s2;
	s6 =	simm.s32 $0x108;
	_ =	swait.ge @!p0 [sflag:s8], $0x0  }
0x24: {  	s3 =	sadd.s32 $0x88, s3;
	s6 =	simm.s32 @!p1 $0x1082;
	[sflag:s4] =	ssyncset.s32 $0xFFFFF086  }
0x25: {  	[simem:s6], [sflag:s4] =	dma.local [hbm:s3], $0xF7A  }
0x26: {  	[smem:$0x3F9C] =	sst s1;
	(tag) =	ssettag s2;
	_ =	strace s9  }
0x27: {  	s1 =	sld [smem:$0x3FAC]  }
0x28: {  	s2 =	sld [smem:$0x3FAD]  }
0x29: {  	s4 =	sld [smem:$0x3FAF]  }
0x2a: {  	p0 =	seq.s32 s5, $0x0;
	s5 =	sld [smem:$0x3FB0]  }
0x2b: {  	s6 =	sld [smem:$0x3FB1]  }
0x2c: {  	s7 =	sld [smem:$0x3FB2]  }
0x2d: {  	s3 =	simm.s32 $0x108;
	s8 =	sld [smem:$0x3FB3]  }
0x2e: {  	s3 =	simm.s32 @!p0 $0x1082;
	s9 =	sld [smem:$0x3FB4]  }
0x2f: {  	lr =	sadd.s32 s0, s3;
	s0 =	sld [smem:$0x3FAB]  }
0x30: {  	s3 =	sld [smem:$0x3FAE]  }
0x31: {  	[smem:$0x3FB7] =	sst s10  }
0x32: {  	s10 =	sld [smem:$0x3FB5];
	_ =	sdelay $0x3  }
0x33: {  	p0 =	seq.s32 s10, $0x1;
	s10 =	sld [smem:$0x3FB7];
	_ =	sdelay $0x3  }
0x34: {  	[smem:$0x3FB7] =	sst s10  }
0x35: {  	s10 =	sld [smem:$0x3FB6];
	_ =	sdelay $0x3  }
0x36: {  	p1 =	seq.s32 s10, $0x1;
	s10 =	sld [smem:$0x3FB7];
	_ =	sdelay $0x3  }
0x37: {  	[smem:$0x3FB7] =	sst s10  }
0x38: {  	s10 =	sld [smem:$0x3FB8]  }
0x39: {  	_ = 	snop;
	(pc) =	sbr.ind lr, $3  }
0x3a: {  	_ = 	snop  }
0x3b: {  	_ = 	snop  }
0x3c: {  	p2 =	seq.s32 s10, $0x1;
	s10 =	sld [smem:$0x3FB7]  }
0x3d: {  	_ =	shalt  }
0x3e: {  	_ =	shalt  }
0x3f: {  	_ =	shalt  }
0x40: {  	_ =	shalt  }
0x41: {  	_ =	shalt  }
0x42: {  	_ =	shalt  }
0x43: {  	_ =	shalt  }
0x44: {  	_ =	shalt  }
0x45: {  	_ =	shalt  }
0x46: {  	_ =	shalt  }
0x47: {  	_ =	shalt  }
0x48: {  	_ =	shalt  }
0x49: {  	_ =	shalt  }
0x4a: {  	_ =	shalt  }
0x4b: {  	_ =	shalt  }
0x4c: {  	_ =	shalt  }
0x4d: {  	_ =	shalt  }
0x4e: {  	_ =	shalt  }
0x4f: {  	_ =	shalt  }
0x50: {  	_ =	shalt  }
0x51: {  	_ =	shalt  }
0x52: {  	_ =	shalt  }
0x53: {  	_ =	shalt  }
0x54: {  	_ =	shalt  }
0x55: {  	_ =	shalt  }
0x56: {  	_ =	shalt  }
0x57: {  	_ =	shalt  }
0x58: {  	_ =	shalt  }
0x59: {  	_ =	shalt  }
0x5a: {  	_ =	shalt  }
0x5b: {  	_ =	shalt  }
0x5c: {  	_ =	shalt  }
0x5d: {  	_ =	shalt  }
0x5e: {  	_ =	shalt  }
0x5f: {  	_ =	shalt  }
0x60: {  	_ =	shalt  }
0x61: {  	_ =	shalt  }
0x62: {  	_ =	shalt  }
0x63: {  	_ =	shalt  }
0x64: {  	_ =	shalt  }
0x65: {  	_ =	shalt  }
0x66: {  	_ =	shalt  }
0x67: {  	_ =	shalt  }
0x68: {  	_ =	shalt  }
0x69: {  	_ =	shalt  }
0x6a: {  	_ =	shalt  }
0x6b: {  	_ =	shalt  }
0x6c: {  	_ =	shalt  }
0x6d: {  	_ =	shalt  }
0x6e: {  	_ =	shalt  }
0x6f: {  	_ =	shalt  }
0x70: {  	_ =	shalt  }
0x71: {  	_ =	shalt  }
0x72: {  	_ =	shalt  }
0x73: {  	_ =	shalt  }
0x74: {  	_ =	shalt  }
0x75: {  	_ =	shalt  }
0x76: {  	_ =	shalt  }
0x77: {  	_ =	shalt  }
0x78: {  	_ =	shalt  }
0x79: {  	_ =	shalt  }
0x7a: {  	_ =	shalt  }
0x7b: {  	_ =	shalt  }
0x7c: {  	_ =	shalt  }
0x7d: {  	_ =	shalt  }
0x7e: {  	_ =	shalt  }
0x7f: {  	_ =	shalt  }
0x80: {  	_ =	shalt  }
0x81: {  	_ =	shalt  }
0x82: {  	_ =	shalt  }
0x83: {  	_ =	shalt  }
0x84: {  	_ =	shalt  }
0x85: {  	_ =	shalt  }
0x86: {  	_ =	shalt  }
0x87: {  	_ =	shalt  }
.Lfunc_end0:
.L_simem_size_0:
called_computation_lowered:
.L_overlay_start_0:
0x88: {  	s2 =	sld [smem:$0x3FD9]  }
0x89: {  	s3 =	sld [smem:$0x3FFE];
	_ =	sdelay $0x1  }
0x8a: {  	s1 =	srdreg.scid  }
0x8b: {  	s0 =	sand.u32 $0x1, s1  }
0x8c: {  	s17 =	sshll.u32 s0, $0xA;
	s2 =	sadd.s32 s3, s2  }
0x8d: {  	s2 =	sadd.s32 s2, s17  }
0x8e: {  	[smem:$0x3FC3] =	sst s2  }
0x8f: {  	_ = 	snop  }
0x90: {  	s2 =	sld [smem:$0x3FD0];
	(tm) =	ssettm $0x1  }
0x91: {  	s18 =	sld [smem:$0x3FFB];
	_ =	sdelay $0x3  }
0x92: {  	_ =	strace s18  }
0x93: {  	s3 =	sld [smem:$0x3FFC];
	_ =	sdelay $0x3  }
0x94: {  	_ =	strace s3  }
0x95: {  	s3 =	sld [smem:$0x3FFD];
	_ =	sdelay $0x3  }
0x96: {  	_ =	strace s3  }
0x97: {  	_ =	strace $0x8FFFFFFF  }
0x98: {  	s19 =	sld [smem:$0x3FDB];
	_ =	sdelay $0x1  }
0x99: {  	s4 =	simm.s32 $_scs_section_size  }
0x9a: {  	s5 =	simm.s32 $_size__tile_overlayer_lowered;
	s6 =	simm.s32 $_tile_overlayer_lowered  }
0x9b: {  	s22 =	simm.s32 $0x1BFF;
	s21 =	sshll.u32 s6, $0x1;
	s3 =	sadd.s32 s4, s19  }
0x9c: {  	s7 =	simm.s32 $0x0;
	s20 =	sshll.u32 s5, $0x1;
	s5 =	sadd.s32 s21, s3  }
0x9d: {  	[timem:s7], [sflag:s22] =	dma.local [hbm:s5], s20  }
0x9e: {  	_ =	swait.ge [sflag:s22], s20  }
0x9f: {  	s4 =	ssub.s32 $0x0, s20;
	[sflag:s22] =	ssyncset.done $0x0  }
0xa0: {  	[sflag:s22] =	ssyncadd.s32 s4;
	_ =	sdelay $0x1  }
0xa1: {  	s23 =	simm.s32 $0x1B8B  }
0xa2: {  	_ =	swait.ge [sflag:s23], $0x1  }
0xa3: {  	[sflag:s23] =	ssyncset.done $0x0  }
0xa4: {  	s25 =	simm.s32 $0x1B8E;
	s24 =	sld [smem:$0x3FFE];
	[sflag:s23] =	ssyncadd.s32 $0xFFFFFFFF  }
0xa5: {  	s26 =	simm.s32 $execute0_lowered;
	[smem:$0x3FD2] =	sst s25  }
0xa6: {  	s5 =	sshll.u32 s26, $0x1;
	_ =	strace $0x80000046;
	[dreg:$0x1] =	wrdreg $0xFFFFFFFF  }
0xa7: {  	s28 =	simm.s32 $_size_execute0_lowered;
	s3 =	sadd.s32 s3, s5;
	[dreg:$0x0] =	wrdreg $0x0  }
0xa8: {  	s5 =	sshll.u32 s28, $0x1;
	[dreg:$0x2] =	wrdreg s3  }
0xa9: {  	[dreg:$0x3] =	wrdreg s5  }
0xaa: {  	[dreg:$0x4] =	wrdreg $0xC0  }
0xab: {  	_ =	task [dreg:s7], $0x5FFFF  }
0xac: {  	[dreg:$0x1] =	wrdreg $0xFFFFFFFF  }
0xad: {  	[dreg:$0x0] =	wrdreg $0x60  }
0xae: {  	[dreg:$0x2] =	wrdreg s24  }
0xaf: {  	[dreg:$0x3] =	wrdreg s2  }
0xb0: {  	[dreg:$0x4] =	wrdreg $0x9  }
0xb1: {  	_ =	task.clear_ibuf [dreg:s7], $0x5FFFF;
	_ =	strace $0x90000046  }
0xb2: {  	s29 =	simm.s32 $0x9;
	_ =	strace $0x80000048  }
0xb3: {  	_ =	swait.ge [sflag:s29], $0x1  }
0xb4: {  	[sflag:s29] =	ssyncadd.s32 $0xFFFFFFFF  }
0xb5: {  	_ =	strace $0x90000048  }
0xb6: {  	_ =	sfence  }
0xb7: {  	s30 =	sld [smem:$0x0];
	_ =	sdelay $0x2  }
0xb8: {  	s31 =	sshll.u32 s1, $0xD;
	s1 =	sshrl.u32 s1, $0x2  }
0xb9: {  	s3 =	sand.u32 $0x4000, s31;
	s1 =	sadd.s32 s1, s30  }
0xba: {  	s0 =	sor.u32 s3, s0;
	s1 =	sshll.u32 s1, $0x11  }
0xbb: {  	s0 =	sor.u32 s1, s0  }
0xbc: {  	s0 =	sadd.s32 $0x8F2B, s0  }
0xbd: {  	[sflag:s0] =	ssyncadd.remote.s32 $0x1  }
0xbe: {  	_ =	sfence.sel $0xFFFF  }
0xbf: {  	[dreg:$0x0] =	wrdreg $0xFFFFFFFF;
	(pc) =	sbr.abs _section_cstart, $3  }
0xc0: {  	[dreg:$0x1] =	wrdreg $0xFFFFFFFF  }
0xc1: {  	_ =	task.clear_ibuf [dreg:s7], $0x2FFFF;
	_ =	strace $0x9FFFFFFF  }
0xc2: {  	(tm) =	ssettm $0x7FFFFFFF  }
0xc3: {  	_ =	shalt  }
tec
execute0_lowered:
.L_overlay_start_1:
0x0: {  	(tag) =	ssettag $0x1  }
0x1: {  	s8 =	rddreg [dreg:$0x0]  }
0x2: {  	s1 =	rddreg [dreg:$0x1]  }
0x3: {  	s0 =	rddreg [dreg:$0x2]  }
0x4: {  	s3 =	simm.s32 $0x0;
	s4 =	srdreg.scid;
	s2 =	stileid.u32  }
0x5: {  	s12 =	simm.s32 $0x880;
	s13 =	simm.s32 $0x1080;
	s14 =	simm.s32 $0x1880  }
0x6: {  	s15 =	simm.s32 $0x2080;
	s16 =	simm.s32 $0x2880;
	s17 =	simm.s32 $0x3080  }
0x7: {  	s18 =	simm.s32 $0x3880;
	s19 =	simm.s32 $0x4080;
	s20 =	simm.s32 $0x4880  }
0x8: {  	s21 =	simm.s32 $0x5080;
	s22 =	simm.s32 $0x5880;
	s23 =	simm.s32 $0x6080  }
0x9: {  	s24 =	simm.s32 $0x6880;
	s25 =	simm.s32 $0x7080;
	s26 =	simm.s32 $0x7880  }
0xa: {  	s28 =	simm.s32 $0x1;
	[smem:$0x7FF] =	sst s3;
	s4 =	sand.u32 $0x1, s4  }
0xb: {  	s6 =	sshll.u32 s2, $0x8;
	s5 =	ssub.s32 $0x2, s4;
	s4 =	sshll.u32 s4, $0x7  }
0xc: {  	s7 =	sadd.s32 $0x40A00, s8;
	s9 =	sshrl.u32 s5, $0x1;
	s6 =	sor.u32 s4, s6  }
0xd: {  	_ =	strace $0x80000047;
	s9 =	ssub.s32 s5, s9;
	s4 =	sshrl.u32 s6, $0x3  }
0xe: {  	s31 =	sshll.u32 s6, $0x6;
	s10 =	sor.u32 $0x40, s6;
	s6 =	sadd.s32 $0x100, s1  }
0xf: {  	v2 =	vlaneseq.u32;
	s4 =	sadd.s32 s7, s4;
	s5 =	sadd.s32 s8, s31;
	s11 =	sshrl.u32 s10, $0x3  }
0x10: {  	vm0 =	vmmov $0xffff;
	v1 =	vshrl.u32 v2, $0x3;
	s10 =	sshll.u32 s10, $0x6;
	s9 =	smax.u32 s9, $0x1;
	s7 =	sadd.s32 s7, s11  }
0x11: {  	v0 =	vand.u32 $0x7, v2;
	v2 =	vor.u32 $0x8, v2;
	v1 =	vmul.u32 $0x8, v1;
	s8 =	sadd.s32 s8, s10;
	s10 =	simm.s32 $0x2;
	s11 =	simm.s32 $0x80  }
.LBB2_1:
0x12: {  	[tilespmem:s3], [sflag:$0x2] =	stream.linear.gather [hbm4b:s4+s3], $0x40, $0x38;
	[tilespmem:$0x8080] =	vst v63  }
0x13: {  	_ =	swait.ge [sflag:s10], $0x40  }
0x14: {  	[sflag:s10] =	ssyncset.done $0x0  }
0x15: {  	[sflag:s10] =	ssyncadd.s32 $0xFFFFFFC0  }
0x16: {  	[tilespmem:s11], [sflag:$0x2] =	stream.linear.gather [hbm4b:s5+s3], $0x8000, $0x38;
	[tilespmem:$0x8080] =	vst v63  }
0x17: {  	_ =	swait.ge [sflag:s10], $0x8000  }
0x18: {  	[sflag:s10] =	ssyncset.done $0x0  }
0x19: {  	[sflag:s10] =	ssyncadd.s32 $0xFFFF8000  }
0x1a: {  	v3 =	vld [tilespmem:$0x0];
	_ =	sdelay $0x4  }
0x1b: {  	v4 =	vshll.u32 v3, $0x2  }
0x1c: {  	v3 =	vand.u32 $0x7, v3;
	v4 =	vand.u32 $0xFFFFFFE0, v4  }
0x1d: {  	v3 =	vor.u32 v3, v4  }
0x1e: {  	v4 =	vperm.xlane v3, v0;
	_ =	sdelay $0x1  }
0x1f: {  	v4 =	vadd.s32 v1, v4;
	_ =	sdelay $0x1  }
0x20: {  	v3 =	vperm.xlane v3, v2;
	_ =	sdelay $0x1  }
0x21: {  	v3 =	vadd.s32 v1, v3  }
0x22: {  	[hbm4b:s1+s3] =	stream.indirect_vreg.scatter [tilespmem:s11], [sflag:$0x1], $0x80, v4, vm0, $0xb8;
	[tilespmem:$0x8080] =	vst v63  }
0x23: {  	_ = 	snop  }
0x24: {  	[hbm4b:s6+s3] =	stream.indirect_vreg.scatter [tilespmem:s12], [sflag:$0x1], $0x80, v4, vm0, $0xb8;
	[tilespmem:$0x8080] =	vst v63  }
0x25: {  	_ = 	snop  }
0x26: {  	[hbm4b:s1+s3] =	stream.indirect_vreg.scatter [tilespmem:s13], [sflag:$0x1], $0x80, v3, vm0, $0xb8;
	[tilespmem:$0x8080] =	vst v63  }
0x27: {  	_ = 	snop  }
0x28: {  	[hbm4b:s6+s3] =	stream.indirect_vreg.scatter [tilespmem:s14], [sflag:$0x1], $0x80, v3, vm0, $0xb8;
	[tilespmem:$0x8080] =	vst v63  }
0x29: {  	v3 =	vld [tilespmem:$0x10];
	_ =	sdelay $0x4  }
0x2a: {  	v57 =	vshll.u32 v3, $0x2  }
0x2b: {  	v3 =	vand.u32 $0x7, v3;
	v4 =	vand.u32 $0xFFFFFFE0, v57  }
0x2c: {  	v3 =	vor.u32 v3, v4  }
0x2d: {  	v4 =	vperm.xlane v3, v0;
	_ =	sdelay $0x1  }
0x2e: {  	v4 =	vadd.s32 v1, v4;
	_ =	sdelay $0x1  }
0x2f: {  	v3 =	vperm.xlane v3, v2;
	_ =	sdelay $0x1  }
0x30: {  	v3 =	vadd.s32 v1, v3  }
0x31: {  	[hbm4b:s1+s3] =	stream.indirect_vreg.scatter [tilespmem:s15], [sflag:$0x1], $0x80, v4, vm0, $0xb8;
	[tilespmem:$0x8080] =	vst v63  }
0x32: {  	_ = 	snop  }
0x33: {  	[hbm4b:s6+s3] =	stream.indirect_vreg.scatter [tilespmem:s16], [sflag:$0x1], $0x80, v4, vm0, $0xb8;
	[tilespmem:$0x8080] =	vst v63  }
0x34: {  	_ = 	snop  }
0x35: {  	[hbm4b:s1+s3] =	stream.indirect_vreg.scatter [tilespmem:s17], [sflag:$0x1], $0x80, v3, vm0, $0xb8;
	[tilespmem:$0x8080] =	vst v63  }
0x36: {  	_ = 	snop  }
0x37: {  	[hbm4b:s6+s3] =	stream.indirect_vreg.scatter [tilespmem:s18], [sflag:$0x1], $0x80, v3, vm0, $0xb8;
	[tilespmem:$0x8080] =	vst v63  }
0x38: {  	v3 =	vld [tilespmem:$0x20];
	_ =	sdelay $0x4  }
0x39: {  	v58 =	vshll.u32 v3, $0x2  }
0x3a: {  	v3 =	vand.u32 $0x7, v3;
	v4 =	vand.u32 $0xFFFFFFE0, v58  }
0x3b: {  	v3 =	vor.u32 v3, v4  }
0x3c: {  	v4 =	vperm.xlane v3, v0;
	_ =	sdelay $0x1  }
0x3d: {  	v4 =	vadd.s32 v1, v4;
	_ =	sdelay $0x1  }
0x3e: {  	v3 =	vperm.xlane v3, v2;
	_ =	sdelay $0x1  }
0x3f: {  	v3 =	vadd.s32 v1, v3  }
0x40: {  	[hbm4b:s1+s3] =	stream.indirect_vreg.scatter [tilespmem:s19], [sflag:$0x1], $0x80, v4, vm0, $0xb8;
	[tilespmem:$0x8080] =	vst v63  }
0x41: {  	_ = 	snop  }
0x42: {  	[hbm4b:s6+s3] =	stream.indirect_vreg.scatter [tilespmem:s20], [sflag:$0x1], $0x80, v4, vm0, $0xb8;
	[tilespmem:$0x8080] =	vst v63  }
0x43: {  	_ = 	snop  }
0x44: {  	[hbm4b:s1+s3] =	stream.indirect_vreg.scatter [tilespmem:s21], [sflag:$0x1], $0x80, v3, vm0, $0xb8;
	[tilespmem:$0x8080] =	vst v63  }
0x45: {  	_ = 	snop  }
0x46: {  	[hbm4b:s6+s3] =	stream.indirect_vreg.scatter [tilespmem:s22], [sflag:$0x1], $0x80, v3, vm0, $0xb8;
	[tilespmem:$0x8080] =	vst v63  }
0x47: {  	v3 =	vld [tilespmem:$0x30];
	_ =	sdelay $0x4  }
0x48: {  	v59 =	vshll.u32 v3, $0x2  }
0x49: {  	v3 =	vand.u32 $0x7, v3;
	v4 =	vand.u32 $0xFFFFFFE0, v59  }
0x4a: {  	v3 =	vor.u32 v3, v4  }
0x4b: {  	v4 =	vperm.xlane v3, v0;
	_ =	sdelay $0x1  }
0x4c: {  	v4 =	vadd.s32 v1, v4;
	_ =	sdelay $0x1  }
0x4d: {  	v3 =	vperm.xlane v3, v2;
	_ =	sdelay $0x1  }
0x4e: {  	v3 =	vadd.s32 v1, v3  }
0x4f: {  	[hbm4b:s1+s3] =	stream.indirect_vreg.scatter [tilespmem:s23], [sflag:$0x1], $0x80, v4, vm0, $0xb8;
	[tilespmem:$0x8080] =	vst v63  }
0x50: {  	_ = 	snop  }
0x51: {  	[hbm4b:s6+s3] =	stream.indirect_vreg.scatter [tilespmem:s24], [sflag:$0x1], $0x80, v4, vm0, $0xb8;
	[tilespmem:$0x8080] =	vst v63  }
0x52: {  	_ = 	snop  }
0x53: {  	[hbm4b:s1+s3] =	stream.indirect_vreg.scatter [tilespmem:s25], [sflag:$0x1], $0x80, v3, vm0, $0xb8;
	[tilespmem:$0x8080] =	vst v63  }
0x54: {  	_ = 	snop  }
0x55: {  	[hbm4b:s6+s3] =	stream.indirect_vreg.scatter [tilespmem:s26], [sflag:$0x1], $0x80, v3, vm0, $0xb8;
	[tilespmem:$0x8080] =	vst v63  }
0x56: {  	_ =	swait.ge [sflag:s28], $0x8000  }
0x57: {  	[sflag:s28] =	ssyncset.done $0x0  }
0x58: {  	[sflag:s28] =	ssyncadd.s32 $0xFFFF8000  }
0x59: {  	[tilespmem:s3], [sflag:$0x2] =	stream.linear.gather [hbm4b:s7+s3], $0x40, $0x38;
	[tilespmem:$0x8080] =	vst v63  }
0x5a: {  	_ =	swait.ge [sflag:s10], $0x40  }
0x5b: {  	[sflag:s10] =	ssyncset.done $0x0  }
0x5c: {  	[sflag:s10] =	ssyncadd.s32 $0xFFFFFFC0  }
0x5d: {  	[tilespmem:s11], [sflag:$0x2] =	stream.linear.gather [hbm4b:s8+s3], $0x8000, $0x38;
	[tilespmem:$0x8080] =	vst v63  }
0x5e: {  	_ =	swait.ge [sflag:s10], $0x8000  }
0x5f: {  	[sflag:s10] =	ssyncset.done $0x0  }
0x60: {  	[sflag:s10] =	ssyncadd.s32 $0xFFFF8000  }
0x61: {  	v3 =	vld [tilespmem:$0x0];
	_ =	sdelay $0x4  }
0x62: {  	v60 =	vshll.u32 v3, $0x2  }
0x63: {  	v3 =	vand.u32 $0x7, v3;
	v4 =	vand.u32 $0xFFFFFFE0, v60  }
0x64: {  	v3 =	vor.u32 v3, v4  }
0x65: {  	v4 =	vperm.xlane v3, v0;
	_ =	sdelay $0x1  }
0x66: {  	v4 =	vadd.s32 v1, v4;
	_ =	sdelay $0x1  }
0x67: {  	v3 =	vperm.xlane v3, v2;
	_ =	sdelay $0x1  }
0x68: {  	v3 =	vadd.s32 v1, v3  }
0x69: {  	[hbm4b:s1+s3] =	stream.indirect_vreg.scatter [tilespmem:s11], [sflag:$0x1], $0x80, v4, vm0, $0xb8;
	[tilespmem:$0x8080] =	vst v63  }
0x6a: {  	_ = 	snop  }
0x6b: {  	[hbm4b:s6+s3] =	stream.indirect_vreg.scatter [tilespmem:s12], [sflag:$0x1], $0x80, v4, vm0, $0xb8;
	[tilespmem:$0x8080] =	vst v63  }
0x6c: {  	_ = 	snop  }
0x6d: {  	[hbm4b:s1+s3] =	stream.indirect_vreg.scatter [tilespmem:s13], [sflag:$0x1], $0x80, v3, vm0, $0xb8;
	[tilespmem:$0x8080] =	vst v63  }
0x6e: {  	_ = 	snop  }
0x6f: {  	[hbm4b:s6+s3] =	stream.indirect_vreg.scatter [tilespmem:s14], [sflag:$0x1], $0x80, v3, vm0, $0xb8;
	[tilespmem:$0x8080] =	vst v63  }
0x70: {  	v3 =	vld [tilespmem:$0x10];
	_ =	sdelay $0x4  }
0x71: {  	v61 =	vshll.u32 v3, $0x2  }
0x72: {  	v3 =	vand.u32 $0x7, v3;
	v4 =	vand.u32 $0xFFFFFFE0, v61  }
0x73: {  	v3 =	vor.u32 v3, v4  }
0x74: {  	v4 =	vperm.xlane v3, v0;
	_ =	sdelay $0x1  }
0x75: {  	v4 =	vadd.s32 v1, v4;
	_ =	sdelay $0x1  }
0x76: {  	v3 =	vperm.xlane v3, v2;
	_ =	sdelay $0x1  }
0x77: {  	v3 =	vadd.s32 v1, v3  }
0x78: {  	[hbm4b:s1+s3] =	stream.indirect_vreg.scatter [tilespmem:s15], [sflag:$0x1], $0x80, v4, vm0, $0xb8;
	[tilespmem:$0x8080] =	vst v63  }
0x79: {  	_ = 	snop  }
0x7a: {  	[hbm4b:s6+s3] =	stream.indirect_vreg.scatter [tilespmem:s16], [sflag:$0x1], $0x80, v4, vm0, $0xb8;
	[tilespmem:$0x8080] =	vst v63  }
0x7b: {  	_ = 	snop  }
0x7c: {  	[hbm4b:s1+s3] =	stream.indirect_vreg.scatter [tilespmem:s17], [sflag:$0x1], $0x80, v3, vm0, $0xb8;
	[tilespmem:$0x8080] =	vst v63  }
0x7d: {  	_ = 	snop  }
0x7e: {  	[hbm4b:s6+s3] =	stream.indirect_vreg.scatter [tilespmem:s18], [sflag:$0x1], $0x80, v3, vm0, $0xb8;
	[tilespmem:$0x8080] =	vst v63  }
0x7f: {  	v3 =	vld [tilespmem:$0x20];
	_ =	sdelay $0x4  }
0x80: {  	v62 =	vshll.u32 v3, $0x2  }
0x81: {  	v3 =	vand.u32 $0x7, v3;
	v4 =	vand.u32 $0xFFFFFFE0, v62  }
0x82: {  	v3 =	vor.u32 v3, v4  }
0x83: {  	v4 =	vperm.xlane v3, v0;
	_ =	sdelay $0x1  }
0x84: {  	v4 =	vadd.s32 v1, v4;
	_ =	sdelay $0x1  }
0x85: {  	v3 =	vperm.xlane v3, v2;
	_ =	sdelay $0x1  }
0x86: {  	v3 =	vadd.s32 v1, v3  }
0x87: {  	[hbm4b:s1+s3] =	stream.indirect_vreg.scatter [tilespmem:s19], [sflag:$0x1], $0x80, v4, vm0, $0xb8;
	[tilespmem:$0x8080] =	vst v63  }
0x88: {  	_ = 	snop  }
0x89: {  	[hbm4b:s6+s3] =	stream.indirect_vreg.scatter [tilespmem:s20], [sflag:$0x1], $0x80, v4, vm0, $0xb8;
	[tilespmem:$0x8080] =	vst v63  }
0x8a: {  	_ = 	snop  }
0x8b: {  	[hbm4b:s1+s3] =	stream.indirect_vreg.scatter [tilespmem:s21], [sflag:$0x1], $0x80, v3, vm0, $0xb8;
	[tilespmem:$0x8080] =	vst v63  }
0x8c: {  	_ = 	snop  }
0x8d: {  	[hbm4b:s6+s3] =	stream.indirect_vreg.scatter [tilespmem:s22], [sflag:$0x1], $0x80, v3, vm0, $0xb8;
	[tilespmem:$0x8080] =	vst v63  }
0x8e: {  	v3 =	vld [tilespmem:$0x30];
	_ =	sdelay $0x4  }
0x8f: {  	v63 =	vshll.u32 v3, $0x2  }
0x90: {  	v3 =	vand.u32 $0x7, v3;
	v4 =	vand.u32 $0xFFFFFFE0, v63  }
0x91: {  	v3 =	vor.u32 v3, v4  }
0x92: {  	v4 =	vperm.xlane v3, v0;
	_ =	sdelay $0x1  }
0x93: {  	v4 =	vadd.s32 v1, v4;
	_ =	sdelay $0x1  }
0x94: {  	v3 =	vperm.xlane v3, v2;
	_ =	sdelay $0x1  }
0x95: {  	v3 =	vadd.s32 v1, v3  }
0x96: {  	[hbm4b:s1+s3] =	stream.indirect_vreg.scatter [tilespmem:s23], [sflag:$0x1], $0x80, v4, vm0, $0xb8;
	[tilespmem:$0x8080] =	vst v63  }
0x97: {  	_ = 	snop  }
0x98: {  	[hbm4b:s6+s3] =	stream.indirect_vreg.scatter [tilespmem:s24], [sflag:$0x1], $0x80, v4, vm0, $0xb8;
	[tilespmem:$0x8080] =	vst v63  }
0x99: {  	p0 =	sne.s32 s9, $0x1  }
0x9a: {  	[hbm4b:s1+s3] =	stream.indirect_vreg.scatter [tilespmem:s25], [sflag:$0x1], $0x80, v3, vm0, $0xb8;
	[tilespmem:$0x8080] =	vst v63  }
.Ltmp0:
0x9b: {  	_ = 	snop;
	(pc) =	sbr.rel @p0 .LBB2_1-.Ltmp0, $4  }
0x9c: {  	[hbm4b:s6+s3] =	stream.indirect_vreg.scatter [tilespmem:s26], [sflag:$0x1], $0x80, v3, vm0, $0xb8;
	[tilespmem:$0x8080] =	vst v63  }
0x9d: {  	_ =	swait.ge [sflag:s28], $0x8000  }
0x9e: {  	[sflag:s28] =	ssyncset.done $0x0  }
0x9f: {  	s9 =	sadd.s32 $0xFFFFFFFF, s9;
	[sflag:s28] =	ssyncadd.s32 $0xFFFF8000  }
0xa0: {  	_ =	sfence.sel $0x180000  }
0xa1: {  	[bflag:$0x0] =	sbarrier.arrive $0xFFFF  }
0xa2: {  	p0 =	sne.s32 s2, $0x0;
	_ =	strace $0x90000047  }
0xa3: {  	s0 =	sadd.s32 @!p0 $0x100000, s0;
	[bflag:$0x2] =	sbarrier.arrive $0xFFFF  }
0xa4: {  	[sflag:s0] =	ssyncadd.tile.s32 @!p0 $0x1;
	_ =	shalt  }
.Lfunc_end2:
_tile_overlayer_lowered:
.L_overlay_start_2:
0xa5: {  	(tag) =	ssettag $0x2  }
0xa6: {  	s0 =	rddreg [dreg:$0x0];
	s2 =	stileid.u32  }
0xa7: {  	s1 =	rddreg [dreg:$0x1];
	p0 =	sne.s32 s2, $0x0  }
0xa8: {  	s3 =	rddreg [dreg:$0x2];
	[bflag:$0x3] =	sbarrier.arrive $0xFFFF;
	s2 =	simm.s32 @!p0 $0x1C02  }
0xa9: {  	[timem:s3], [sflag:s2] =	dma.local @!p0 [hbm:s0], s1  }
0xaa: {  	s0 =	simm.s32 @!p0 $0x2  }
0xab: {  	_ =	swait.ge @!p0 [sflag:s0], s1  }
0xac: {  	s1 =	ssub.s32 @!p0 $0x0, s1;
	[sflag:s0] =	ssyncset.done @!p0 $0x0  }
0xad: {  	[sflag:s0] =	ssyncadd.s32 @!p0 s1  }
0xae: {  	[bflag:$0x3] =	sbarrier.arrive $0xFFFF  }
0xaf: {  	_ =	shalt  }

// kernel: kernel.9.cloned.1.call-start
scs
__scs_entry_jumppad:
0x0: {  	(pc) =	sbr.rel $0x88, $3  }
0x1: {  	(tag) =	ssettag $0x0;
	lr =	simm.s32 $0x1  }
0x2: {  	[smem:$0x3F9C] =	sst lr;
	_ =	strace $0xD0000000  }
0x3: {  	_ = 	snop  }
0x4: {  	_ = 	snop  }
0x5: {  	_ = 	snop  }
0x6: {  	_ = 	snop  }
0x7: {  	_ = 	snop  }
__scs_overlays_trampoline_lowered:
0x8: {  	[smem:$0x3FAB] =	sst s0  }
0x9: {  	[smem:$0x3FAC] =	sst s1  }
0xa: {  	[smem:$0x3FAD] =	sst s2  }
0xb: {  	[smem:$0x3FAE] =	sst s3  }
0xc: {  	[smem:$0x3FAF] =	sst s4  }
0xd: {  	[smem:$0x3FB0] =	sst s5  }
0xe: {  	[smem:$0x3FB1] =	sst s6  }
0xf: {  	[smem:$0x3FB2] =	sst s7  }
0x10: {  	[smem:$0x3FB3] =	sst s8  }
0x11: {  	[smem:$0x3FB4] =	sst s9;
	s0 =	simm.s32 @!p0 $0x0  }
0x12: {  	s1 =	sld [smem:$0x3F9A];
	s0 =	simm.s32 @p0 $0x1  }
0x13: {  	[smem:$0x3FB5] =	sst s0;
	s0 =	simm.s32 @!p1 $0x0  }
0x14: {  	s2 =	sld [smem:$0x3F99];
	s0 =	simm.s32 @p1 $0x1  }
0x15: {  	[smem:$0x3FB6] =	sst s0;
	s0 =	simm.s32 @!p2 $0x0  }
0x16: {  	s3 =	sld [smem:$0x3FDB];
	s0 =	simm.s32 @p2 $0x1  }
0x17: {  	s4 =	simm.s32 $0x1BF5;
	[smem:$0x3FB8] =	sst s0  }
0x18: {  	s0 =	sld [smem:$0x3F9B];
	_ =	swait.ge [sflag:s4], $0x0  }
0x19: {  	s7 =	sld [smem:$0x3F9C]  }
0x1a: {  	s8 =	sadd.s32 $0xFFFFE003, lr  }
0x1b: {  	s9 =	sadd.s32 $0xFFFFFEF7, lr;
	s5 =	simm.s32 $0xFFFFFFFF;
	p2 =	slt.u32 s8, $0xFFFFF086  }
0x1c: {  	p1 =	slt.u32 s9, $0xF7A;
	s5 =	simm.s32 @!p2 $0x0  }
0x1d: {  	s5 =	simm.s32 @p1 $0x1;
	p0 =	seq.s32 s7, s2  }
0x1e: {  	s7 =	smul.u32 @!p0 $0xF7A, s2;
	p2 =	seq.s32 @!p0 s5, $0x0  }
0x1f: {  	s9 =	smul.u32 $0xF7A, s1;
	s8 =	simm.s32 @!p0 $0x1BF5;
	p2 =	por !p2, p0  }
0x20: {  	[sflag:s8] =	ssyncset.s32 @!p0 $0xFFFFF086;
	s6 =	sadd.s32 @!p0 s3, s7;
	s7 =	simm.s32 @!p0 $0x108  }
0x21: {  	s3 =	sadd.s32 s3, s9;
	s6 =	sadd.s32 @!p0 $0x88, s6;
	s7 =	simm.s32 @p2 $0x1082  }
0x22: {  	[simem:s7], [sflag:s8] =	dma.local @!p0 [hbm:s6], $0xF7A  }
0x23: {  	s9 =	sor.u32 $0xD0000000, s2;
	s6 =	simm.s32 $0x108;
	_ =	swait.ge @!p0 [sflag:s8], $0x0  }
0x24: {  	s3 =	sadd.s32 $0x88, s3;
	s6 =	simm.s32 @!p1 $0x1082;
	[sflag:s4] =	ssyncset.s32 $0xFFFFF086  }
0x25: {  	[simem:s6], [sflag:s4] =	dma.local [hbm:s3], $0xF7A  }
0x26: {  	[smem:$0x3F9C] =	sst s1;
	(tag) =	ssettag s2;
	_ =	strace s9  }
0x27: {  	s1 =	sld [smem:$0x3FAC]  }
0x28: {  	s2 =	sld [smem:$0x3FAD]  }
0x29: {  	s4 =	sld [smem:$0x3FAF]  }
0x2a: {  	p0 =	seq.s32 s5, $0x0;
	s5 =	sld [smem:$0x3FB0]  }
0x2b: {  	s6 =	sld [smem:$0x3FB1]  }
0x2c: {  	s7 =	sld [smem:$0x3FB2]  }
0x2d: {  	s3 =	simm.s32 $0x108;
	s8 =	sld [smem:$0x3FB3]  }
0x2e: {  	s3 =	simm.s32 @!p0 $0x1082;
	s9 =	sld [smem:$0x3FB4]  }
0x2f: {  	lr =	sadd.s32 s0, s3;
	s0 =	sld [smem:$0x3FAB]  }
0x30: {  	s3 =	sld [smem:$0x3FAE]  }
0x31: {  	[smem:$0x3FB7] =	sst s10  }
0x32: {  	s10 =	sld [smem:$0x3FB5];
	_ =	sdelay $0x3  }
0x33: {  	p0 =	seq.s32 s10, $0x1;
	s10 =	sld [smem:$0x3FB7];
	_ =	sdelay $0x3  }
0x34: {  	[smem:$0x3FB7] =	sst s10  }
0x35: {  	s10 =	sld [smem:$0x3FB6];
	_ =	sdelay $0x3  }
0x36: {  	p1 =	seq.s32 s10, $0x1;
	s10 =	sld [smem:$0x3FB7];
	_ =	sdelay $0x3  }
0x37: {  	[smem:$0x3FB7] =	sst s10  }
0x38: {  	s10 =	sld [smem:$0x3FB8]  }
0x39: {  	_ = 	snop;
	(pc) =	sbr.ind lr, $3  }
0x3a: {  	_ = 	snop  }
0x3b: {  	_ = 	snop  }
0x3c: {  	p2 =	seq.s32 s10, $0x1;
	s10 =	sld [smem:$0x3FB7]  }
0x3d: {  	_ =	shalt  }
0x3e: {  	_ =	shalt  }
0x3f: {  	_ =	shalt  }
0x40: {  	_ =	shalt  }
0x41: {  	_ =	shalt  }
0x42: {  	_ =	shalt  }
0x43: {  	_ =	shalt  }
0x44: {  	_ =	shalt  }
0x45: {  	_ =	shalt  }
0x46: {  	_ =	shalt  }
0x47: {  	_ =	shalt  }
0x48: {  	_ =	shalt  }
0x49: {  	_ =	shalt  }
0x4a: {  	_ =	shalt  }
0x4b: {  	_ =	shalt  }
0x4c: {  	_ =	shalt  }
0x4d: {  	_ =	shalt  }
0x4e: {  	_ =	shalt  }
0x4f: {  	_ =	shalt  }
0x50: {  	_ =	shalt  }
0x51: {  	_ =	shalt  }
0x52: {  	_ =	shalt  }
0x53: {  	_ =	shalt  }
0x54: {  	_ =	shalt  }
0x55: {  	_ =	shalt  }
0x56: {  	_ =	shalt  }
0x57: {  	_ =	shalt  }
0x58: {  	_ =	shalt  }
0x59: {  	_ =	shalt  }
0x5a: {  	_ =	shalt  }
0x5b: {  	_ =	shalt  }
0x5c: {  	_ =	shalt  }
0x5d: {  	_ =	shalt  }
0x5e: {  	_ =	shalt  }
0x5f: {  	_ =	shalt  }
0x60: {  	_ =	shalt  }
0x61: {  	_ =	shalt  }
0x62: {  	_ =	shalt  }
0x63: {  	_ =	shalt  }
0x64: {  	_ =	shalt  }
0x65: {  	_ =	shalt  }
0x66: {  	_ =	shalt  }
0x67: {  	_ =	shalt  }
0x68: {  	_ =	shalt  }
0x69: {  	_ =	shalt  }
0x6a: {  	_ =	shalt  }
0x6b: {  	_ =	shalt  }
0x6c: {  	_ =	shalt  }
0x6d: {  	_ =	shalt  }
0x6e: {  	_ =	shalt  }
0x6f: {  	_ =	shalt  }
0x70: {  	_ =	shalt  }
0x71: {  	_ =	shalt  }
0x72: {  	_ =	shalt  }
0x73: {  	_ =	shalt  }
0x74: {  	_ =	shalt  }
0x75: {  	_ =	shalt  }
0x76: {  	_ =	shalt  }
0x77: {  	_ =	shalt  }
0x78: {  	_ =	shalt  }
0x79: {  	_ =	shalt  }
0x7a: {  	_ =	shalt  }
0x7b: {  	_ =	shalt  }
0x7c: {  	_ =	shalt  }
0x7d: {  	_ =	shalt  }
0x7e: {  	_ =	shalt  }
0x7f: {  	_ =	shalt  }
0x80: {  	_ =	shalt  }
0x81: {  	_ =	shalt  }
0x82: {  	_ =	shalt  }
0x83: {  	_ =	shalt  }
0x84: {  	_ =	shalt  }
0x85: {  	_ =	shalt  }
0x86: {  	_ =	shalt  }
0x87: {  	_ =	shalt  }
.Lfunc_end0:
.L_simem_size_0:
called_computation.1_lowered:
.L_overlay_start_0:
0x88: {  	s2 =	sld [smem:$0x3FD9]  }
0x89: {  	s3 =	sld [smem:$0x3FFE];
	_ =	sdelay $0x1  }
0x8a: {  	s1 =	srdreg.scid  }
0x8b: {  	s0 =	sand.u32 $0x1, s1  }
0x8c: {  	s17 =	sshll.u32 s0, $0xA;
	s2 =	sadd.s32 s3, s2  }
0x8d: {  	s2 =	sadd.s32 s2, s17  }
0x8e: {  	[smem:$0x3FC3] =	sst s2  }
0x8f: {  	_ = 	snop  }
0x90: {  	s2 =	sld [smem:$0x3FD0];
	(tm) =	ssettm $0x1  }
0x91: {  	s18 =	sld [smem:$0x3FFB];
	_ =	sdelay $0x3  }
0x92: {  	_ =	strace s18  }
0x93: {  	s3 =	sld [smem:$0x3FFC];
	_ =	sdelay $0x3  }
0x94: {  	_ =	strace s3  }
0x95: {  	s3 =	sld [smem:$0x3FFD];
	_ =	sdelay $0x3  }
0x96: {  	_ =	strace s3  }
0x97: {  	_ =	strace $0x8FFFFFFF  }
0x98: {  	s19 =	sld [smem:$0x3FDB];
	_ =	sdelay $0x1  }
0x99: {  	s4 =	simm.s32 $_scs_section_size  }
0x9a: {  	s5 =	simm.s32 $_size__tile_overlayer_lowered;
	s6 =	simm.s32 $_tile_overlayer_lowered  }
0x9b: {  	s22 =	simm.s32 $0x1BFF;
	s21 =	sshll.u32 s6, $0x1;
	s3 =	sadd.s32 s4, s19  }
0x9c: {  	s7 =	simm.s32 $0x0;
	s20 =	sshll.u32 s5, $0x1;
	s5 =	sadd.s32 s21, s3  }
0x9d: {  	[timem:s7], [sflag:s22] =	dma.local [hbm:s5], s20  }
0x9e: {  	_ =	swait.ge [sflag:s22], s20  }
0x9f: {  	s4 =	ssub.s32 $0x0, s20;
	[sflag:s22] =	ssyncset.done $0x0  }
0xa0: {  	[sflag:s22] =	ssyncadd.s32 s4;
	_ =	sdelay $0x1  }
0xa1: {  	s23 =	simm.s32 $0x1B8B  }
0xa2: {  	_ =	swait.ge [sflag:s23], $0x1  }
0xa3: {  	[sflag:s23] =	ssyncset.done $0x0  }
0xa4: {  	s25 =	simm.s32 $0x1B8E;
	s24 =	sld [smem:$0x3FFE];
	[sflag:s23] =	ssyncadd.s32 $0xFFFFFFFF  }
0xa5: {  	s26 =	simm.s32 $execute0_lowered;
	[smem:$0x3FD2] =	sst s25  }
0xa6: {  	s5 =	sshll.u32 s26, $0x1;
	_ =	strace $0x80000049;
	[dreg:$0x1] =	wrdreg $0xFFFFFFFF  }
0xa7: {  	s28 =	simm.s32 $_size_execute0_lowered;
	s3 =	sadd.s32 s3, s5;
	[dreg:$0x0] =	wrdreg $0x0  }
0xa8: {  	s5 =	sshll.u32 s28, $0x1;
	[dreg:$0x2] =	wrdreg s3  }
0xa9: {  	[dreg:$0x3] =	wrdreg s5  }
0xaa: {  	[dreg:$0x4] =	wrdreg $0xC0  }
0xab: {  	_ =	task [dreg:s7], $0x5FFFF  }
0xac: {  	[dreg:$0x1] =	wrdreg $0xFFFFFFFF  }
0xad: {  	[dreg:$0x0] =	wrdreg $0x60  }
0xae: {  	[dreg:$0x2] =	wrdreg s24  }
0xaf: {  	[dreg:$0x3] =	wrdreg s2  }
0xb0: {  	[dreg:$0x4] =	wrdreg $0x9  }
0xb1: {  	_ =	task.clear_ibuf [dreg:s7], $0x5FFFF;
	_ =	strace $0x90000049  }
0xb2: {  	s29 =	simm.s32 $0x9;
	_ =	strace $0x8000004B  }
0xb3: {  	_ =	swait.ge [sflag:s29], $0x1  }
0xb4: {  	[sflag:s29] =	ssyncadd.s32 $0xFFFFFFFF  }
0xb5: {  	_ =	strace $0x9000004B  }
0xb6: {  	_ =	sfence  }
0xb7: {  	s30 =	sld [smem:$0x0];
	_ =	sdelay $0x2  }
0xb8: {  	s31 =	sshll.u32 s1, $0xD;
	s1 =	sshrl.u32 s1, $0x2  }
0xb9: {  	s3 =	sand.u32 $0x4000, s31;
	s1 =	sadd.s32 s1, s30  }
0xba: {  	s0 =	sor.u32 s3, s0;
	s1 =	sshll.u32 s1, $0x11  }
0xbb: {  	s0 =	sor.u32 s1, s0  }
0xbc: {  	s0 =	sadd.s32 $0x8F2B, s0  }
0xbd: {  	[sflag:s0] =	ssyncadd.remote.s32 $0x1  }
0xbe: {  	_ =	sfence.sel $0xFFFF  }
0xbf: {  	[dreg:$0x0] =	wrdreg $0xFFFFFFFF;
	(pc) =	sbr.abs _section_cstart, $3  }
0xc0: {  	[dreg:$0x1] =	wrdreg $0xFFFFFFFF  }
0xc1: {  	_ =	task.clear_ibuf [dreg:s7], $0x2FFFF;
	_ =	strace $0x9FFFFFFF  }
0xc2: {  	(tm) =	ssettm $0x7FFFFFFF  }
0xc3: {  	_ =	shalt  }
tec
execute0_lowered:
.L_overlay_start_1:
0x0: {  	(tag) =	ssettag $0x1  }
0x1: {  	s0 =	rddreg [dreg:$0x0]  }
0x2: {  	s1 =	rddreg [dreg:$0x1]  }
0x3: {  	s2 =	srdreg.scid;
	s4 =	stileid.u32;
	s18 =	simm.s32 $0x1  }
0x4: {  	s20 =	simm.s32 $0x880;
	s21 =	simm.s32 $0x1080;
	s28 =	simm.s32 $0x4080  }
0x5: {  	s29 =	simm.s32 $0x4880;
	s30 =	simm.s32 $0x5080;
	s31 =	simm.s32 $0x5880  }
0x6: {  	s11 =	simm.s32 $0x7880;
	s12 =	simm.s32 $0x8080;
	s13 =	simm.s32 $0x8880  }
0x7: {  	s14 =	simm.s32 $0x9080;
	s15 =	simm.s32 $0x9880;
	s16 =	simm.s32 $0xA080  }
0x8: {  	s17 =	simm.s32 $0xA880;
	s3 =	sand.u32 $0x1, s2;
	s2 =	simm.s32 $0x0  }
0x9: {  	s4 =	sshll.u32 s4, $0x8;
	s6 =	sadd.s32 $0x40A00, s0;
	s5 =	sshll.u32 s3, $0x7  }
0xa: {  	[smem:$0x7FF] =	sst s2;
	s22 =	ssub.s32 $0x2, s3;
	s3 =	sadd.s32 $0x40C00, s0  }
0xb: {  	s5 =	sor.u32 s5, s4;
	_ =	strace $0x8000004A;
	s7 =	sshrl.u32 s22, $0x1  }
0xc: {  	s4 =	sadd.s32 $0x40D00, s0;
	s23 =	sshrl.u32 s5, $0x3;
	s7 =	ssub.s32 s22, s7  }
0xd: {  	s24 =	sshll.u32 s5, $0x7;
	s9 =	sor.u32 $0x40, s5;
	s5 =	sadd.s32 $0x40E00, s0  }
0xe: {  	s22 =	simm.s32 $0x1880;
	s8 =	sadd.s32 s6, s23;
	s10 =	sshrl.u32 s9, $0x3  }
0xf: {  	s9 =	sshll.u32 s9, $0x7;
	s7 =	smax.u32 s7, $0x1;
	s23 =	simm.s32 $0x2080  }
0x10: {  	[dreg:$0x3] =	wrdreg s8;
	s8 =	sadd.s32 s1, s24;
	s25 =	sadd.s32 s6, s10  }
0x11: {  	s6 =	sadd.s32 $0x40F00, s0;
	s26 =	sadd.s32 s1, s9;
	[dreg:$0x4] =	wrdreg s8  }
0x12: {  	v2 =	vlaneseq.u32;
	s0 =	simm.s32 $0x80;
	s24 =	simm.s32 $0x2880;
	[dreg:$0x5] =	wrdreg s25  }
0x13: {  	vm0 =	vmmov $0xffff;
	v1 =	vshrl.u32 v2, $0x3;
	s10 =	simm.s32 $0x7080;
	s9 =	simm.s32 $0xB080;
	[dreg:$0x6] =	wrdreg s26  }
0x14: {  	v0 =	vand.u32 $0x7, v2;
	v2 =	vor.u32 $0x8, v2;
	v1 =	vmul.u32 $0x8, v1;
	s8 =	simm.s32 $0x2;
	s25 =	simm.s32 $0x3080;
	s26 =	simm.s32 $0x3880  }
.LBB2_1:
0x15: {  	s19 =	rddreg [dreg:$0x3]  }
0x16: {  	[tilespmem:s2], [sflag:$0x2] =	stream.linear.gather [hbm4b:s19+s2], $0x40, $0x38;
	[tilespmem:$0x10080] =	vst v63  }
0x17: {  	_ =	swait.ge [sflag:s8], $0x40  }
0x18: {  	[sflag:s8] =	ssyncset.done $0x0  }
0x19: {  	[sflag:s8] =	ssyncadd.s32 $0xFFFFFFC0  }
0x1a: {  	v3 =	vld [tilespmem:$0x0];
	_ =	sdelay $0x4  }
0x1b: {  	v4 =	vshll.u32 v3, $0x3  }
0x1c: {  	v3 =	vand.u32 $0x7, v3;
	v4 =	vand.u32 $0xFFFFFFC0, v4  }
0x1d: {  	v3 =	vor.u32 v3, v4  }
0x1e: {  	v4 =	vperm.xlane v3, v0;
	_ =	sdelay $0x1  }
0x1f: {  	v4 =	vadd.s32 v1, v4;
	_ =	sdelay $0x4  }
0x20: {  	[tilespmem:s0], [sflag:$0x1] =	stream.indirect_vreg.gather [hbm4b:s3+s2], $0x80, v4, vm0, $0xb8;
	[tilespmem:$0x10080] =	vst v63  }
0x21: {  	v3 =	vperm.xlane v3, v2  }
0x22: {  	[tilespmem:s20], [sflag:$0x1] =	stream.indirect_vreg.gather [hbm4b:s4+s2], $0x80, v4, vm0, $0xb8;
	[tilespmem:$0x10080] =	vst v63  }
0x23: {  	v3 =	vadd.s32 v1, v3  }
0x24: {  	[tilespmem:s21], [sflag:$0x1] =	stream.indirect_vreg.gather [hbm4b:s5+s2], $0x80, v4, vm0, $0xb8;
	[tilespmem:$0x10080] =	vst v63  }
0x25: {  	_ = 	snop  }
0x26: {  	[tilespmem:s22], [sflag:$0x1] =	stream.indirect_vreg.gather [hbm4b:s6+s2], $0x80, v4, vm0, $0xb8;
	[tilespmem:$0x10080] =	vst v63  }
0x27: {  	_ = 	snop  }
0x28: {  	[tilespmem:s23], [sflag:$0x1] =	stream.indirect_vreg.gather [hbm4b:s3+s2], $0x80, v3, vm0, $0xb8;
	[tilespmem:$0x10080] =	vst v63  }
0x29: {  	_ = 	snop  }
0x2a: {  	[tilespmem:s24], [sflag:$0x1] =	stream.indirect_vreg.gather [hbm4b:s4+s2], $0x80, v3, vm0, $0xb8;
	[tilespmem:$0x10080] =	vst v63  }
0x2b: {  	_ = 	snop  }
0x2c: {  	[tilespmem:s25], [sflag:$0x1] =	stream.indirect_vreg.gather [hbm4b:s5+s2], $0x80, v3, vm0, $0xb8;
	[tilespmem:$0x10080] =	vst v63  }
0x2d: {  	_ = 	snop  }
0x2e: {  	[tilespmem:s26], [sflag:$0x1] =	stream.indirect_vreg.gather [hbm4b:s6+s2], $0x80, v3, vm0, $0xb8;
	[tilespmem:$0x10080] =	vst v63  }
0x2f: {  	v3 =	vld [tilespmem:$0x10];
	_ =	sdelay $0x4  }
0x30: {  	v57 =	vshll.u32 v3, $0x3  }
0x31: {  	v3 =	vand.u32 $0x7, v3;
	v4 =	vand.u32 $0xFFFFFFC0, v57  }
0x32: {  	v3 =	vor.u32 v3, v4  }
0x33: {  	v4 =	vperm.xlane v3, v0;
	_ =	sdelay $0x1  }
0x34: {  	v4 =	vadd.s32 v1, v4;
	_ =	sdelay $0x4  }
0x35: {  	[tilespmem:s28], [sflag:$0x1] =	stream.indirect_vreg.gather [hbm4b:s3+s2], $0x80, v4, vm0, $0xb8;
	[tilespmem:$0x10080] =	vst v63  }
0x36: {  	v3 =	vperm.xlane v3, v2  }
0x37: {  	[tilespmem:s29], [sflag:$0x1] =	stream.indirect_vreg.gather [hbm4b:s4+s2], $0x80, v4, vm0, $0xb8;
	[tilespmem:$0x10080] =	vst v63  }
0x38: {  	v3 =	vadd.s32 v1, v3  }
0x39: {  	[tilespmem:s30], [sflag:$0x1] =	stream.indirect_vreg.gather [hbm4b:s5+s2], $0x80, v4, vm0, $0xb8;
	[tilespmem:$0x10080] =	vst v63  }
0x3a: {  	_ = 	snop  }
0x3b: {  	[tilespmem:s31], [sflag:$0x1] =	stream.indirect_vreg.gather [hbm4b:s6+s2], $0x80, v4, vm0, $0xb8;
	[tilespmem:$0x10080] =	vst v63  }
0x3c: {  	s1 =	simm.s32 $0x6080  }
0x3d: {  	[tilespmem:s1], [sflag:$0x1] =	stream.indirect_vreg.gather [hbm4b:s3+s2], $0x80, v3, vm0, $0xb8;
	[tilespmem:$0x10080] =	vst v63  }
0x3e: {  	s1 =	simm.s32 $0x6880  }
0x3f: {  	[tilespmem:s1], [sflag:$0x1] =	stream.indirect_vreg.gather [hbm4b:s4+s2], $0x80, v3, vm0, $0xb8;
	[tilespmem:$0x10080] =	vst v63  }
0x40: {  	_ = 	snop  }
0x41: {  	[tilespmem:s10], [sflag:$0x1] =	stream.indirect_vreg.gather [hbm4b:s5+s2], $0x80, v3, vm0, $0xb8;
	[tilespmem:$0x10080] =	vst v63  }
0x42: {  	_ = 	snop  }
0x43: {  	[tilespmem:s11], [sflag:$0x1] =	stream.indirect_vreg.gather [hbm4b:s6+s2], $0x80, v3, vm0, $0xb8;
	[tilespmem:$0x10080] =	vst v63  }
0x44: {  	v3 =	vld [tilespmem:$0x20];
	_ =	sdelay $0x4  }
0x45: {  	v58 =	vshll.u32 v3, $0x3  }
0x46: {  	v3 =	vand.u32 $0x7, v3;
	v4 =	vand.u32 $0xFFFFFFC0, v58  }
0x47: {  	v3 =	vor.u32 v3, v4  }
0x48: {  	v4 =	vperm.xlane v3, v0;
	_ =	sdelay $0x1  }
0x49: {  	v4 =	vadd.s32 v1, v4;
	_ =	sdelay $0x4  }
0x4a: {  	[tilespmem:s12], [sflag:$0x1] =	stream.indirect_vreg.gather [hbm4b:s3+s2], $0x80, v4, vm0, $0xb8;
	[tilespmem:$0x10080] =	vst v63  }
0x4b: {  	v3 =	vperm.xlane v3, v2  }
0x4c: {  	[tilespmem:s13], [sflag:$0x1] =	stream.indirect_vreg.gather [hbm4b:s4+s2], $0x80, v4, vm0, $0xb8;
	[tilespmem:$0x10080] =	vst v63  }
0x4d: {  	v3 =	vadd.s32 v1, v3  }
0x4e: {  	[tilespmem:s14], [sflag:$0x1] =	stream.indirect_vreg.gather [hbm4b:s5+s2], $0x80, v4, vm0, $0xb8;
	[tilespmem:$0x10080] =	vst v63  }
0x4f: {  	_ = 	snop  }
0x50: {  	[tilespmem:s15], [sflag:$0x1] =	stream.indirect_vreg.gather [hbm4b:s6+s2], $0x80, v4, vm0, $0xb8;
	[tilespmem:$0x10080] =	vst v63  }
0x51: {  	_ = 	snop  }
0x52: {  	[tilespmem:s16], [sflag:$0x1] =	stream.indirect_vreg.gather [hbm4b:s3+s2], $0x80, v3, vm0, $0xb8;
	[tilespmem:$0x10080] =	vst v63  }
0x53: {  	_ = 	snop  }
0x54: {  	[tilespmem:s17], [sflag:$0x1] =	stream.indirect_vreg.gather [hbm4b:s4+s2], $0x80, v3, vm0, $0xb8;
	[tilespmem:$0x10080] =	vst v63  }
0x55: {  	_ = 	snop  }
0x56: {  	[tilespmem:s9], [sflag:$0x1] =	stream.indirect_vreg.gather [hbm4b:s5+s2], $0x80, v3, vm0, $0xb8;
	[tilespmem:$0x10080] =	vst v63  }
0x57: {  	s19 =	simm.s32 $0xB880  }
0x58: {  	[tilespmem:s19], [sflag:$0x1] =	stream.indirect_vreg.gather [hbm4b:s6+s2], $0x80, v3, vm0, $0xb8;
	[tilespmem:$0x10080] =	vst v63  }
0x59: {  	v3 =	vld [tilespmem:$0x30];
	_ =	sdelay $0x4  }
0x5a: {  	v59 =	vshll.u32 v3, $0x3  }
0x5b: {  	v3 =	vand.u32 $0x7, v3;
	v4 =	vand.u32 $0xFFFFFFC0, v59  }
0x5c: {  	v3 =	vor.u32 v3, v4  }
0x5d: {  	v4 =	vperm.xlane v3, v0;
	_ =	sdelay $0x1  }
0x5e: {  	v4 =	vadd.s32 v1, v4;
	_ =	sdelay $0x3  }
0x5f: {  	s19 =	simm.s32 $0xC080  }
0x60: {  	[tilespmem:s19], [sflag:$0x1] =	stream.indirect_vreg.gather [hbm4b:s3+s2], $0x80, v4, vm0, $0xb8;
	[tilespmem:$0x10080] =	vst v63  }
0x61: {  	v3 =	vperm.xlane v3, v2;
	s19 =	simm.s32 $0xC880  }
0x62: {  	[tilespmem:s19], [sflag:$0x1] =	stream.indirect_vreg.gather [hbm4b:s4+s2], $0x80, v4, vm0, $0xb8;
	[tilespmem:$0x10080] =	vst v63  }
0x63: {  	v3 =	vadd.s32 v1, v3;
	s19 =	simm.s32 $0xD080  }
0x64: {  	[tilespmem:s19], [sflag:$0x1] =	stream.indirect_vreg.gather [hbm4b:s5+s2], $0x80, v4, vm0, $0xb8;
	[tilespmem:$0x10080] =	vst v63  }
0x65: {  	s19 =	simm.s32 $0xD880  }
0x66: {  	[tilespmem:s19], [sflag:$0x1] =	stream.indirect_vreg.gather [hbm4b:s6+s2], $0x80, v4, vm0, $0xb8;
	[tilespmem:$0x10080] =	vst v63  }
0x67: {  	s19 =	simm.s32 $0xE080  }
0x68: {  	[tilespmem:s19], [sflag:$0x1] =	stream.indirect_vreg.gather [hbm4b:s3+s2], $0x80, v3, vm0, $0xb8;
	[tilespmem:$0x10080] =	vst v63  }
0x69: {  	s19 =	simm.s32 $0xE880  }
0x6a: {  	[tilespmem:s19], [sflag:$0x1] =	stream.indirect_vreg.gather [hbm4b:s4+s2], $0x80, v3, vm0, $0xb8;
	[tilespmem:$0x10080] =	vst v63  }
0x6b: {  	s19 =	simm.s32 $0xF080  }
0x6c: {  	[tilespmem:s19], [sflag:$0x1] =	stream.indirect_vreg.gather [hbm4b:s5+s2], $0x80, v3, vm0, $0xb8;
	[tilespmem:$0x10080] =	vst v63  }
0x6d: {  	s19 =	simm.s32 $0xF880  }
0x6e: {  	[tilespmem:s19], [sflag:$0x1] =	stream.indirect_vreg.gather [hbm4b:s6+s2], $0x80, v3, vm0, $0xb8;
	[tilespmem:$0x10080] =	vst v63  }
0x6f: {  	_ =	swait.ge [sflag:s18], $0x10000  }
0x70: {  	[sflag:s18] =	ssyncset.done $0x0  }
0x71: {  	s19 =	rddreg [dreg:$0x4];
	[sflag:s18] =	ssyncadd.s32 $0xFFFF0000  }
0x72: {  	[hbm4b:s19+s2] =	stream.linear.scatter [tilespmem:s0], [sflag:$0x2], $0x10000, $0x38;
	[tilespmem:$0x10080] =	vst v63  }
0x73: {  	_ =	swait.ge [sflag:s8], $0x10000  }
0x74: {  	[sflag:s8] =	ssyncset.done $0x0  }
0x75: {  	s19 =	rddreg [dreg:$0x5];
	[sflag:s8] =	ssyncadd.s32 $0xFFFF0000  }
0x76: {  	[tilespmem:s2], [sflag:$0x2] =	stream.linear.gather [hbm4b:s19+s2], $0x40, $0x38;
	[tilespmem:$0x10080] =	vst v63  }
0x77: {  	_ =	swait.ge [sflag:s8], $0x40  }
0x78: {  	[sflag:s8] =	ssyncset.done $0x0  }
0x79: {  	[sflag:s8] =	ssyncadd.s32 $0xFFFFFFC0  }
0x7a: {  	v3 =	vld [tilespmem:$0x0];
	_ =	sdelay $0x4  }
0x7b: {  	v60 =	vshll.u32 v3, $0x3  }
0x7c: {  	v3 =	vand.u32 $0x7, v3;
	v4 =	vand.u32 $0xFFFFFFC0, v60  }
0x7d: {  	v3 =	vor.u32 v3, v4  }
0x7e: {  	v4 =	vperm.xlane v3, v0;
	_ =	sdelay $0x1  }
0x7f: {  	v4 =	vadd.s32 v1, v4;
	_ =	sdelay $0x4  }
0x80: {  	[tilespmem:s0], [sflag:$0x1] =	stream.indirect_vreg.gather [hbm4b:s3+s2], $0x80, v4, vm0, $0xb8;
	[tilespmem:$0x10080] =	vst v63  }
0x81: {  	v3 =	vperm.xlane v3, v2  }
0x82: {  	[tilespmem:s20], [sflag:$0x1] =	stream.indirect_vreg.gather [hbm4b:s4+s2], $0x80, v4, vm0, $0xb8;
	[tilespmem:$0x10080] =	vst v63  }
0x83: {  	v3 =	vadd.s32 v1, v3  }
0x84: {  	[tilespmem:s21], [sflag:$0x1] =	stream.indirect_vreg.gather [hbm4b:s5+s2], $0x80, v4, vm0, $0xb8;
	[tilespmem:$0x10080] =	vst v63  }
0x85: {  	_ = 	snop  }
0x86: {  	[tilespmem:s22], [sflag:$0x1] =	stream.indirect_vreg.gather [hbm4b:s6+s2], $0x80, v4, vm0, $0xb8;
	[tilespmem:$0x10080] =	vst v63  }
0x87: {  	_ = 	snop  }
0x88: {  	[tilespmem:s23], [sflag:$0x1] =	stream.indirect_vreg.gather [hbm4b:s3+s2], $0x80, v3, vm0, $0xb8;
	[tilespmem:$0x10080] =	vst v63  }
0x89: {  	_ = 	snop  }
0x8a: {  	[tilespmem:s24], [sflag:$0x1] =	stream.indirect_vreg.gather [hbm4b:s4+s2], $0x80, v3, vm0, $0xb8;
	[tilespmem:$0x10080] =	vst v63  }
0x8b: {  	_ = 	snop  }
0x8c: {  	[tilespmem:s25], [sflag:$0x1] =	stream.indirect_vreg.gather [hbm4b:s5+s2], $0x80, v3, vm0, $0xb8;
	[tilespmem:$0x10080] =	vst v63  }
0x8d: {  	_ = 	snop  }
0x8e: {  	[tilespmem:s26], [sflag:$0x1] =	stream.indirect_vreg.gather [hbm4b:s6+s2], $0x80, v3, vm0, $0xb8;
	[tilespmem:$0x10080] =	vst v63  }
0x8f: {  	v3 =	vld [tilespmem:$0x10];
	_ =	sdelay $0x4  }
0x90: {  	v61 =	vshll.u32 v3, $0x3  }
0x91: {  	v3 =	vand.u32 $0x7, v3;
	v4 =	vand.u32 $0xFFFFFFC0, v61  }
0x92: {  	v3 =	vor.u32 v3, v4  }
0x93: {  	v4 =	vperm.xlane v3, v0;
	_ =	sdelay $0x1  }
0x94: {  	v4 =	vadd.s32 v1, v4;
	_ =	sdelay $0x4  }
0x95: {  	[tilespmem:s28], [sflag:$0x1] =	stream.indirect_vreg.gather [hbm4b:s3+s2], $0x80, v4, vm0, $0xb8;
	[tilespmem:$0x10080] =	vst v63  }
0x96: {  	v3 =	vperm.xlane v3, v2  }
0x97: {  	[tilespmem:s29], [sflag:$0x1] =	stream.indirect_vreg.gather [hbm4b:s4+s2], $0x80, v4, vm0, $0xb8;
	[tilespmem:$0x10080] =	vst v63  }
0x98: {  	v3 =	vadd.s32 v1, v3  }
0x99: {  	[tilespmem:s30], [sflag:$0x1] =	stream.indirect_vreg.gather [hbm4b:s5+s2], $0x80, v4, vm0, $0xb8;
	[tilespmem:$0x10080] =	vst v63  }
0x9a: {  	_ = 	snop  }
0x9b: {  	[tilespmem:s31], [sflag:$0x1] =	stream.indirect_vreg.gather [hbm4b:s6+s2], $0x80, v4, vm0, $0xb8;
	[tilespmem:$0x10080] =	vst v63  }
0x9c: {  	s19 =	simm.s32 $0x6080  }
0x9d: {  	[tilespmem:s19], [sflag:$0x1] =	stream.indirect_vreg.gather [hbm4b:s3+s2], $0x80, v3, vm0, $0xb8;
	[tilespmem:$0x10080] =	vst v63  }
0x9e: {  	_ = 	snop  }
0x9f: {  	[tilespmem:s1], [sflag:$0x1] =	stream.indirect_vreg.gather [hbm4b:s4+s2], $0x80, v3, vm0, $0xb8;
	[tilespmem:$0x10080] =	vst v63  }
0xa0: {  	_ = 	snop  }
0xa1: {  	[tilespmem:s10], [sflag:$0x1] =	stream.indirect_vreg.gather [hbm4b:s5+s2], $0x80, v3, vm0, $0xb8;
	[tilespmem:$0x10080] =	vst v63  }
0xa2: {  	_ = 	snop  }
0xa3: {  	[tilespmem:s11], [sflag:$0x1] =	stream.indirect_vreg.gather [hbm4b:s6+s2], $0x80, v3, vm0, $0xb8;
	[tilespmem:$0x10080] =	vst v63  }
0xa4: {  	v3 =	vld [tilespmem:$0x20];
	_ =	sdelay $0x4  }
0xa5: {  	v62 =	vshll.u32 v3, $0x3  }
0xa6: {  	v3 =	vand.u32 $0x7, v3;
	v4 =	vand.u32 $0xFFFFFFC0, v62  }
0xa7: {  	v3 =	vor.u32 v3, v4  }
0xa8: {  	v4 =	vperm.xlane v3, v0;
	_ =	sdelay $0x1  }
0xa9: {  	v4 =	vadd.s32 v1, v4;
	_ =	sdelay $0x4  }
0xaa: {  	[tilespmem:s12], [sflag:$0x1] =	stream.indirect_vreg.gather [hbm4b:s3+s2], $0x80, v4, vm0, $0xb8;
	[tilespmem:$0x10080] =	vst v63  }
0xab: {  	v3 =	vperm.xlane v3, v2  }
0xac: {  	[tilespmem:s13], [sflag:$0x1] =	stream.indirect_vreg.gather [hbm4b:s4+s2], $0x80, v4, vm0, $0xb8;
	[tilespmem:$0x10080] =	vst v63  }
0xad: {  	v3 =	vadd.s32 v1, v3  }
0xae: {  	[tilespmem:s14], [sflag:$0x1] =	stream.indirect_vreg.gather [hbm4b:s5+s2], $0x80, v4, vm0, $0xb8;
	[tilespmem:$0x10080] =	vst v63  }
0xaf: {  	_ = 	snop  }
0xb0: {  	[tilespmem:s15], [sflag:$0x1] =	stream.indirect_vreg.gather [hbm4b:s6+s2], $0x80, v4, vm0, $0xb8;
	[tilespmem:$0x10080] =	vst v63  }
0xb1: {  	_ = 	snop  }
0xb2: {  	[tilespmem:s16], [sflag:$0x1] =	stream.indirect_vreg.gather [hbm4b:s3+s2], $0x80, v3, vm0, $0xb8;
	[tilespmem:$0x10080] =	vst v63  }
0xb3: {  	_ = 	snop  }
0xb4: {  	[tilespmem:s17], [sflag:$0x1] =	stream.indirect_vreg.gather [hbm4b:s4+s2], $0x80, v3, vm0, $0xb8;
	[tilespmem:$0x10080] =	vst v63  }
0xb5: {  	_ = 	snop  }
0xb6: {  	[tilespmem:s9], [sflag:$0x1] =	stream.indirect_vreg.gather [hbm4b:s5+s2], $0x80, v3, vm0, $0xb8;
	[tilespmem:$0x10080] =	vst v63  }
0xb7: {  	s19 =	simm.s32 $0xB880  }
0xb8: {  	[tilespmem:s19], [sflag:$0x1] =	stream.indirect_vreg.gather [hbm4b:s6+s2], $0x80, v3, vm0, $0xb8;
	[tilespmem:$0x10080] =	vst v63  }
0xb9: {  	v3 =	vld [tilespmem:$0x30];
	_ =	sdelay $0x4  }
0xba: {  	v63 =	vshll.u32 v3, $0x3  }
0xbb: {  	v3 =	vand.u32 $0x7, v3;
	v4 =	vand.u32 $0xFFFFFFC0, v63  }
0xbc: {  	v3 =	vor.u32 v3, v4  }
0xbd: {  	v4 =	vperm.xlane v3, v0;
	_ =	sdelay $0x1  }
0xbe: {  	v4 =	vadd.s32 v1, v4;
	_ =	sdelay $0x3  }
0xbf: {  	s19 =	simm.s32 $0xC080  }
0xc0: {  	[tilespmem:s19], [sflag:$0x1] =	stream.indirect_vreg.gather [hbm4b:s3+s2], $0x80, v4, vm0, $0xb8;
	[tilespmem:$0x10080] =	vst v63  }
0xc1: {  	v3 =	vperm.xlane v3, v2;
	s19 =	simm.s32 $0xC880  }
0xc2: {  	[tilespmem:s19], [sflag:$0x1] =	stream.indirect_vreg.gather [hbm4b:s4+s2], $0x80, v4, vm0, $0xb8;
	[tilespmem:$0x10080] =	vst v63  }
0xc3: {  	v3 =	vadd.s32 v1, v3;
	s19 =	simm.s32 $0xD080  }
0xc4: {  	[tilespmem:s19], [sflag:$0x1] =	stream.indirect_vreg.gather [hbm4b:s5+s2], $0x80, v4, vm0, $0xb8;
	[tilespmem:$0x10080] =	vst v63  }
0xc5: {  	s19 =	simm.s32 $0xD880  }
0xc6: {  	[tilespmem:s19], [sflag:$0x1] =	stream.indirect_vreg.gather [hbm4b:s6+s2], $0x80, v4, vm0, $0xb8;
	[tilespmem:$0x10080] =	vst v63  }
0xc7: {  	s19 =	simm.s32 $0xE080  }
0xc8: {  	[tilespmem:s19], [sflag:$0x1] =	stream.indirect_vreg.gather [hbm4b:s3+s2], $0x80, v3, vm0, $0xb8;
	[tilespmem:$0x10080] =	vst v63  }
0xc9: {  	s19 =	simm.s32 $0xE880  }
0xca: {  	[tilespmem:s19], [sflag:$0x1] =	stream.indirect_vreg.gather [hbm4b:s4+s2], $0x80, v3, vm0, $0xb8;
	[tilespmem:$0x10080] =	vst v63  }
0xcb: {  	s19 =	simm.s32 $0xF080  }
0xcc: {  	[tilespmem:s19], [sflag:$0x1] =	stream.indirect_vreg.gather [hbm4b:s5+s2], $0x80, v3, vm0, $0xb8;
	[tilespmem:$0x10080] =	vst v63  }
0xcd: {  	s19 =	simm.s32 $0xF880  }
0xce: {  	[tilespmem:s19], [sflag:$0x1] =	stream.indirect_vreg.gather [hbm4b:s6+s2], $0x80, v3, vm0, $0xb8;
	[tilespmem:$0x10080] =	vst v63  }
0xcf: {  	_ =	swait.ge [sflag:s18], $0x10000  }
0xd0: {  	p0 =	sne.s32 s7, $0x1;
	[sflag:s18] =	ssyncset.done $0x0  }
.Ltmp0:
0xd1: {  	s1 =	rddreg [dreg:$0x6];
	[sflag:s18] =	ssyncadd.s32 $0xFFFF0000;
	(pc) =	sbr.rel @p0 .LBB2_1-.Ltmp0, $4  }
0xd2: {  	[hbm4b:s1+s2] =	stream.linear.scatter [tilespmem:s0], [sflag:$0x2], $0x10000, $0x38;
	[tilespmem:$0x10080] =	vst v63  }
0xd3: {  	_ =	swait.ge [sflag:s8], $0x10000  }
0xd4: {  	[sflag:s8] =	ssyncset.done $0x0  }
0xd5: {  	s7 =	sadd.s32 $0xFFFFFFFF, s7;
	[sflag:s8] =	ssyncadd.s32 $0xFFFF0000  }
0xd6: {  	_ =	sfence.sel $0x180000  }
0xd7: {  	[bflag:$0x0] =	sbarrier.arrive $0xFFFF  }
0xd8: {  	_ =	strace $0x9000004A  }
0xd9: {  	s0 =	stileid.u32;
	[bflag:$0x2] =	sbarrier.arrive $0xFFFF  }
0xda: {  	p0 =	sne.s32 s0, $0x0;
	s0 =	rddreg [dreg:$0x2]  }
0xdb: {  	s0 =	sadd.s32 @!p0 $0x100000, s0  }
0xdc: {  	[sflag:s0] =	ssyncadd.tile.s32 @!p0 $0x1;
	_ =	shalt  }
.Lfunc_end2:
_tile_overlayer_lowered:
.L_overlay_start_2:
0xdd: {  	(tag) =	ssettag $0x2  }
0xde: {  	s0 =	rddreg [dreg:$0x0];
	s2 =	stileid.u32  }
0xdf: {  	s1 =	rddreg [dreg:$0x1];
	p0 =	sne.s32 s2, $0x0  }
0xe0: {  	s3 =	rddreg [dreg:$0x2];
	[bflag:$0x3] =	sbarrier.arrive $0xFFFF;
	s2 =	simm.s32 @!p0 $0x1C02  }
0xe1: {  	[timem:s3], [sflag:s2] =	dma.local @!p0 [hbm:s0], s1  }
0xe2: {  	s0 =	simm.s32 @!p0 $0x2  }
0xe3: {  	_ =	swait.ge @!p0 [sflag:s0], s1  }
0xe4: {  	s1 =	ssub.s32 @!p0 $0x0, s1;
	[sflag:s0] =	ssyncset.done @!p0 $0x0  }
0xe5: {  	[sflag:s0] =	ssyncadd.s32 @!p0 s1  }
0xe6: {  	[bflag:$0x3] =	sbarrier.arrive $0xFFFF  }
0xe7: {  	_ =	shalt  }

</sc_bundles>
